<compile_context>
chip_gen: v7x
topology: tpu7x:2x2x1
jax: 0.10.2.dev20260603
libtpu: 0.0.44.dev20260713+nightly
codegen_flags: <defaults>
</compile_context>

<pallas_src>
import functools

import jax
import jax.numpy as jnp
from jax import lax
from jax.experimental import pallas as pl
from jax.experimental.pallas import tpu as pltpu
from jax.experimental.pallas import tpu_sc as plsc

B, L, D = 4096, 200, 16
BL = B * L
NTOT = 2 * BL + 3 * B
NW = 32
NROW128 = 13056
NPAD = NROW128 * 128
RPW = NROW128 // NW
KCH = 12
NCH = RPW // KCH
CROWS = KCH * 128

BB = 128
NB = B // BB
GPB = L // 8
GR = BB * GPB


def _sc_gather(table, idx2d):
    mesh = plsc.VectorSubcoreMesh(core_axis_name="c", subcore_axis_name="s")

    @functools.partial(
        pl.kernel,
        out_type=jax.ShapeDtypeStruct((NPAD, D), jnp.float32),
        mesh=mesh,
        compiler_params=pltpu.CompilerParams(use_tc_tiling_on_sc=False),
        scratch_types=[
            pltpu.VMEM((RPW * 128,), jnp.int32),
            pltpu.VMEM((CROWS, D), jnp.float32),
            pltpu.VMEM((CROWS, D), jnp.float32),
            pltpu.SemaphoreType.DMA,
            pltpu.SemaphoreType.DMA,
            pltpu.SemaphoreType.DMA,
            pltpu.SemaphoreType.DMA,
        ],
    )
    def gather_k(table_hbm, idx_hbm, out_hbm, idx_v, rv0, rv1,
                 gs0, gs1, ws0, ws1):
        wid = lax.axis_index("s") * 2 + lax.axis_index("c")
        pltpu.sync_copy(idx_hbm.at[pl.ds(wid * (RPW * 128), RPW * 128)], idx_v)
        obase = wid * (RPW * 128)
        rv = (rv0, rv1)
        gs = (gs0, gs1)
        ws = (ws0, ws1)

        def fire(ch, b):
            pltpu.async_copy(table_hbm.at[idx_v.at[pl.ds(ch * CROWS, CROWS)]],
                             rv[b], gs[b])

        def drain(b):
            pltpu.make_async_copy(table_hbm.at[idx_v.at[pl.ds(0, CROWS)]],
                                  rv[b], gs[b]).wait()

        def wb_start(ch, b):
            pltpu.async_copy(rv[b],
                             out_hbm.at[pl.ds(obase + ch * CROWS, CROWS)], ws[b])

        def wb_wait(b):
            pltpu.make_async_copy(rv[b],
                                  out_hbm.at[pl.ds(obase, CROWS)], ws[b]).wait()

        fire(0, 0)
        fire(1, 1)
        drain(0)
        wb_start(0, 0)

        def pair(chp, _):
            for off, b in ((1, 1), (2, 0)):
                ch = 2 * chp + off
                wb_wait(1 - b)
                fire(ch + 1, 1 - b)
                drain(b)
                wb_start(ch, b)
            return 0

        lax.fori_loop(0, (NCH - 2) // 2, pair, 0, unroll=False)

        ch = NCH - 1
        b = ch % 2
        drain(b)
        wb_start(ch, b)
        wb_wait(1 - b)
        wb_wait(b)

    return gather_k(table, idx2d)


def _affine_stats(sum_row, sq_row, n, g, be):
    m = sum_row / n
    v = jnp.maximum(sq_row / n - m * m, 0.0)
    a = g * lax.rsqrt(v + 1e-5)
    c = be - a * m
    my = a * m + c
    vy = a * a * v
    return a, c, my, vy


def _dice_from(y, my, vy, alpha):
    p = jax.nn.sigmoid((y - my) * lax.rsqrt(vy + 1e-8))
    return y * (p * (1.0 - alpha) + alpha)


def _bn_dice_direct(h, g, be, alpha):
    n = float(h.shape[0])
    ones = jnp.ones((1, h.shape[0]), jnp.float32)
    cdot = lambda a, b: lax.dot_general(a, b, (((1,), (0,)), ((), ())),
                                        preferred_element_type=jnp.float32)
    m = cdot(ones, h) / n
    v = jnp.maximum(cdot(ones, h * h) / n - m * m, 0.0)
    a = lax.rsqrt(v + 1e-5) * g
    y = (h - m) * a + be
    return _dice_from(y, be, a * a * v, alpha)


def _tc_body(seq1, seq2, usr, t1, t2, lens12, R, lpos, PJ, PJT, w0tPJ,
             W0s, W0d, ab0t, ag0, abe0, aal0t,
             W1B, ab1t, ag1, abe1, aal1t, W2rep, ab2,
             mw0, mb0, mg0, mbe0, mal0, mw1, mb1, mg1, mbe1, mal1, mw2, mb2,
             out_ref, stats, sp1, sp2):
    p = pl.program_id(0)
    i = pl.program_id(1)
    n0 = float(BL)

    @pl.when(jnp.logical_and(p == 0, i == 0))
    def _():
        stats[...] = jnp.zeros_like(stats)

    def dot(a, b):
        return lax.dot_general(a, b, (((1,), (0,)), ((), ())),
                               preferred_element_type=jnp.float32)

    bf = lambda x: x.astype(jnp.bfloat16)
    tile8 = lambda v16: dot(v16, PJ[...])

    def h0_of(seq_ref, t_ref):
        sp = seq_ref[...]
        t = t_ref[pl.ds(i * BB, BB), :]
        Rb = bf(R[...])
        ts = dot(Rb, bf(dot(t, PJ[...])))
        tp = dot(Rb, bf(dot(t, w0tPJ[...])))
        h0 = (dot(bf(sp), bf(W0s[...])) + dot(bf(ts * sp), bf(W0d[...]))
              + tp + ab0t[...])
        return sp, h0

    def acc(r, h):
        stats[r:r + 1, :] += dot(jnp.sum(h, axis=0, keepdims=True), PJT[...])
        stats[r + 1:r + 2, :] += dot(jnp.sum(h * h, axis=0, keepdims=True),
                                     PJT[...])

    def layers(seq_ref, t_ref, r):
        sp, h0 = h0_of(seq_ref, t_ref)
        a0, c0, my0, vy0 = _affine_stats(stats[r:r + 1, :], stats[r + 1:r + 2, :],
                                         n0, ag0[...], abe0[...])
        d0 = _dice_from(h0 * tile8(a0) + tile8(c0), tile8(my0), tile8(vy0),
                        aal0t[...])
        h1 = dot(bf(d0), bf(W1B[...])) + ab1t[...]
        return sp, h1

    for si, (sref, tref, spref, r) in enumerate(((seq1, t1, sp1, 0),
                                                 (seq2, t2, sp2, 4))):
        @pl.when(p == 0)
        def _(sref=sref, tref=tref, r=r):
            _, h0 = h0_of(sref, tref)
            acc(r, h0)

        @pl.when(p == 1)
        def _(sref=sref, tref=tref, r=r):
            _, h1 = layers(sref, tref, r)
            acc(r + 2, h1)

        @pl.when(p == 2)
        def _(sref=sref, tref=tref, spref=spref, r=r, si=si):
            sp, h1 = layers(sref, tref, r)
            a1, c1, my1, vy1 = _affine_stats(stats[r + 2:r + 3, :],
                                             stats[r + 3:r + 4, :],
                                             n0, ag1[...], abe1[...])
            d1 = _dice_from(h1 * tile8(a1) + tile8(c1), tile8(my1), tile8(vy1),
                            aal1t[...])
            screp = dot(bf(d1), bf(W2rep[...])) + ab2[...]
            lb = lens12[pl.ds(i * BB, BB), :]
            lensrep = dot(bf(R[...]), bf(lb))
            mask = lpos[...] < lensrep[:, si:si + 1]
            weighted = bf(sp * jnp.where(mask, screp, 0.0))
            pooled = lax.dot_general(bf(R[...]), weighted,
                                     (((0,), (0,)), ((), ())),
                                     preferred_element_type=jnp.float32)
            spref[pl.ds(i * BB, BB), :] = dot(pooled, PJT[...])

    @pl.when(jnp.logical_and(p == 2, i == NB - 1))
    def _():
        def dot(a, b):
            return lax.dot_general(a, b, (((1,), (0,)), ((), ())),
                                   preferred_element_type=jnp.float32)
        h = _bn_dice_direct(dot(usr[...], mw0[pl.ds(0, D), :])
                            + dot(sp1[...], mw0[pl.ds(D, D), :])
                            + dot(t1[...], mw0[pl.ds(2 * D, D), :])
                            + dot(sp2[...], mw0[pl.ds(3 * D, D), :])
                            + dot(t2[...], mw0[pl.ds(4 * D, D), :])
                            + mb0[...], mg0[...], mbe0[...], mal0[...])
        h = _bn_dice_direct(dot(h, mw1[...]) + mb1[...], mg1[...], mbe1[...],
                            mal1[...])
        out_ref[...] = jax.nn.sigmoid(dot(h, mw2[...]) + mb2[...])


def kernel(user_ids, seq1_ids, seq1_len, target1_ids, seq2_ids, seq2_len,
           target2_ids, emb_table, aw0, ab0, ag0, abe0, aal0, aw1, ab1, ag1,
           abe1, aal1, aw2, ab2, mw0, mb0, mg0, mbe0, mal0, mw1, mb1, mg1,
           mbe1, mal1, mw2, mb2):
    ids = jnp.concatenate([
        seq1_ids.reshape(-1), seq2_ids.reshape(-1),
        user_ids, target1_ids, target2_ids,
        jnp.zeros((NPAD - NTOT,), jnp.int32)]).astype(jnp.int32)
    rows = _sc_gather(emb_table, ids)
    user_e = rows[2 * BL:2 * BL + B]
    t1_e = rows[2 * BL + B:2 * BL + 2 * B]
    t2_e = rows[2 * BL + 2 * B:2 * BL + 3 * B]
    rowsp = rows.reshape(NPAD // 8, 128)

    wa, wb, wc, wd = aw0[0:D], aw0[D:2 * D], aw0[2 * D:3 * D], aw0[3 * D:4 * D]
    eye8 = jnp.eye(8, dtype=jnp.float32)
    blk = lambda w: jnp.kron(eye8, w)
    row = lambda x: x.reshape(1, -1)
    tile = lambda x: jnp.tile(x.reshape(1, -1), (1, 8))
    pad16 = lambda v: jnp.pad(v.reshape(1, -1), [(0, 0), (0, D - v.shape[-1])])
    aw1p = jnp.pad(aw1, [(0, 0), (0, D - aw1.shape[-1])])
    aw2p = jnp.pad(aw2, [(0, D - aw2.shape[0]), (0, 0)])

    gi = jnp.arange(GR, dtype=jnp.int32)
    PJ = (jnp.arange(128, dtype=jnp.int32)[None, :] % D
          == jnp.arange(D, dtype=jnp.int32)[:, None]).astype(jnp.float32)
    PJT = PJ.T
    R = (gi[:, None] // GPB
         == jnp.arange(BB, dtype=jnp.int32)[None, :]).astype(jnp.float32)
    lpos = ((gi[:, None] % GPB) * 8
            + jnp.arange(128, dtype=jnp.int32)[None, :] // D).astype(jnp.float32)
    TJ = (jnp.arange(128, dtype=jnp.int32)[None, :] // D
          == jnp.arange(8, dtype=jnp.int32)[:, None]).astype(jnp.float32)
    W2rep = blk(aw2p) @ TJ
    W0s = blk(wb - wc)
    W0d = blk(wd)
    w0tPJ = (wa + wc) @ PJ
    lens12 = jnp.stack([seq1_len, seq2_len], axis=1).astype(jnp.float32)

    args = (
        tile(ab0), row(ag0), row(abe0), tile(aal0),
        blk(aw1p), tile(pad16(ab1)), pad16(ag1), pad16(abe1), tile(pad16(aal1)),
        W2rep, row(ab2),
        mw0, row(mb0), row(mg0), row(mbe0), row(mal0),
        mw1, row(mb1), row(mg1), row(mbe1), row(mal1),
        mw2, row(mb2),
    )

    res = lambda a: pl.BlockSpec(a.shape, lambda p, i: (0, 0))
    SEQ2_OFF = BL // 8 // GR

    in_specs = [
        pl.BlockSpec((GR, 128), lambda p, i: (i, 0)),
        pl.BlockSpec((GR, 128), lambda p, i: (SEQ2_OFF + i, 0)),
        res(user_e), res(t1_e), res(t2_e), res(lens12),
        res(R), res(lpos), res(PJ), res(PJT), res(w0tPJ), res(W0s), res(W0d),
    ] + [res(a) for a in args]

    out = pl.pallas_call(
        _tc_body,
        grid=(3, NB),
        in_specs=in_specs,
        out_specs=pl.BlockSpec((B, 1), lambda p, i: (0, 0)),
        out_shape=jax.ShapeDtypeStruct((B, 1), jnp.float32),
        scratch_shapes=[
            pltpu.VMEM((8, D), jnp.float32),
            pltpu.VMEM((B, D), jnp.float32),
            pltpu.VMEM((B, D), jnp.float32),
        ],
    )(rowsp, rowsp, user_e, t1_e, t2_e, lens12,
      R, lpos, PJ, PJT, w0tPJ, W0s, W0d, *args)
    return out

# --- scband reference (transcript-rebuilt; emitter-appended) ---
"""Pipeline reference for scband-din-4234837754264 (READ-ONLY COPY).

The authoritative reference and input builder live on the scoring server;
editing this copy changes nothing except your own understanding.
"""

import jax, jax.numpy as jnp
import numpy as np

B, L, V, D = 4096, 200, 1000000, 16
ATT_IN = 4 * D
MLP_IN = 5 * D


def _bn(h, g, b):
    m = jnp.mean(h, axis=0, keepdims=True)
    v = jnp.var(h, axis=0, keepdims=True)
    return (h - m) / jnp.sqrt(v + 1e-5) * g + b


def _dice(h, alpha):
    m = jnp.mean(h, axis=0, keepdims=True)
    v = jnp.var(h, axis=0, keepdims=True)
    p = jax.nn.sigmoid((h - m) / jnp.sqrt(v + 1e-8))
    return p * h + (1.0 - p) * alpha * h


def setup_inputs(seed: int = 0) -> dict:
    key = jax.random.key(seed)
    ks = jax.random.split(key, 20)
    inp = {}
    inp["user_ids"] = jax.random.randint(ks[0], (B,), 0, V)
    inp["seq1_ids"] = jax.random.randint(ks[1], (B, L), 0, V)
    inp["seq1_len"] = jax.random.randint(ks[2], (B,), 0, L)
    inp["target1_ids"] = jax.random.randint(ks[3], (B,), 0, V)
    inp["seq2_ids"] = jax.random.randint(ks[4], (B, L), 0, V)
    inp["seq2_len"] = jax.random.randint(ks[5], (B,), 0, L)
    inp["target2_ids"] = jax.random.randint(ks[6], (B,), 0, V)
    inp["emb_table"] = jax.random.normal(ks[7], (V, D), jnp.float32) * 0.01

    def lin(k, fi, fo):
        return jax.random.normal(k, (fi, fo), jnp.float32) * (1.0 / np.sqrt(fi))

    inp["aw0"] = lin(ks[8], ATT_IN, 16); inp["ab0"] = jnp.zeros((16,), jnp.float32)
    inp["ag0"] = jnp.ones((16,), jnp.float32); inp["abe0"] = jnp.zeros((16,), jnp.float32); inp["aal0"] = jnp.zeros((16,), jnp.float32)
    inp["aw1"] = lin(ks[9], 16, 8); inp["ab1"] = jnp.zeros((8,), jnp.float32)
    inp["ag1"] = jnp.ones((8,), jnp.float32); inp["abe1"] = jnp.zeros((8,), jnp.float32); inp["aal1"] = jnp.zeros((8,), jnp.float32)
    inp["aw2"] = lin(ks[10], 8, 1); inp["ab2"] = jnp.zeros((1,), jnp.float32)
    inp["mw0"] = lin(ks[11], MLP_IN, 32); inp["mb0"] = jnp.zeros((32,), jnp.float32)
    inp["mg0"] = jnp.ones((32,), jnp.float32); inp["mbe0"] = jnp.zeros((32,), jnp.float32); inp["mal0"] = jnp.zeros((32,), jnp.float32)
    inp["mw1"] = lin(ks[12], 32, 16); inp["mb1"] = jnp.zeros((16,), jnp.float32)
    inp["mg1"] = jnp.ones((16,), jnp.float32); inp["mbe1"] = jnp.zeros((16,), jnp.float32); inp["mal1"] = jnp.zeros((16,), jnp.float32)
    inp["mw2"] = lin(ks[13], 16, 1); inp["mb2"] = jnp.zeros((1,), jnp.float32)
    return inp


def _attention(target, seq, lens, aw0, ab0, ag0, abe0, aal0, aw1, ab1, ag1, abe1, aal1, aw2, ab2):
    b, l, d = seq.shape
    t = jnp.broadcast_to(target[:, None, :], (b, l, d))
    x = jnp.concatenate([t, seq, t - seq, t * seq], axis=-1).reshape(b * l, 4 * d)
    h = _dice(_bn(x @ aw0 + ab0, ag0, abe0), aal0)
    h = _dice(_bn(h @ aw1 + ab1, ag1, abe1), aal1)
    s = (h @ aw2 + ab2).reshape(b, l)
    mask = jnp.arange(l)[None, :] < lens[:, None]
    s = jnp.where(mask, s, 0.0)
    return jnp.sum(s[:, :, None] * seq, axis=1)


def reference(user_ids, seq1_ids, seq1_len, target1_ids, seq2_ids, seq2_len, target2_ids,
              emb_table, aw0, ab0, ag0, abe0, aal0, aw1, ab1, ag1, abe1, aal1, aw2, ab2,
              mw0, mb0, mg0, mbe0, mal0, mw1, mb1, mg1, mbe1, mal1, mw2, mb2):
    user_e = jnp.take(emb_table, user_ids, axis=0)
    seq1_e = jnp.take(emb_table, seq1_ids, axis=0)
    t1_e = jnp.take(emb_table, target1_ids, axis=0)
    seq2_e = jnp.take(emb_table, seq2_ids, axis=0)
    t2_e = jnp.take(emb_table, target2_ids, axis=0)
    sp1 = _attention(t1_e, seq1_e, seq1_len, aw0, ab0, ag0, abe0, aal0, aw1, ab1, ag1, abe1, aal1, aw2, ab2)
    sp2 = _attention(t2_e, seq2_e, seq2_len, aw0, ab0, ag0, abe0, aal0, aw1, ab1, ag1, abe1, aal1, aw2, ab2)
    emb_concat = jnp.concatenate([user_e, sp1, t1_e, sp2, t2_e], axis=1)
    h = _dice(_bn(emb_concat @ mw0 + mb0, mg0, mbe0), mal0)
    h = _dice(_bn(h @ mw1 + mb1, mg1, mbe1), mal1)
    return jax.nn.sigmoid(h @ mw2 + mb2)

if __name__ == "__main__":
    import jax
    _d = setup_inputs()
    print(jax.jit(kernel)(*tuple(_d.values())))

</pallas_src>

<mosaic_0001>
#map = affine_map<(d0, d1) -> (0, 0)>
#map1 = affine_map<(d0, d1) -> (0)>
module attributes {stable_mosaic.version = 14 : i64} {
  func.func @gather_k(%arg0: i32, %arg1: i32, %arg2: memref<1000000x16xf32, #tpu.memory_space<hbm>>, %arg3: memref<1671168xi32, #tpu.memory_space<hbm>>, %arg4: memref<1671168x16xf32, #tpu.memory_space<hbm>>, %arg5: memref<52224xi32, #tpu.memory_space<vmem>>, %arg6: memref<1536x16xf32, #tpu.memory_space<vmem>>, %arg7: memref<1536x16xf32, #tpu.memory_space<vmem>>, %arg8: memref<!tpu.dma_semaphore, #tpu.memory_space<semaphore_mem>>, %arg9: memref<!tpu.dma_semaphore, #tpu.memory_space<semaphore_mem>>, %arg10: memref<!tpu.dma_semaphore, #tpu.memory_space<semaphore_mem>>, %arg11: memref<!tpu.dma_semaphore, #tpu.memory_space<semaphore_mem>>) attributes {dimension_semantics = [#tpu.dimension_semantics<core_parallel>, #tpu.dimension_semantics<subcore_parallel>], iteration_bounds = array<i64: 2, 16>, scalar_prefetch = 0 : i64, scratch_operands = 7 : i64, tpu.core_type = #tpu.core_type<sc_vector_subcore>, window_params = [{transform_indices = #map}, {transform_indices = #map1}, {transform_indices = #map}]} {
    %mul3A = arith.constant 2 : i32
    %mul3A_0 = arith.muli %arg1, %mul3A : i32
    %add3A = arith.addi %mul3A_0, %arg0 : i32
    %mul3A_1 = arith.constant 52224 : i32
    %mul3A_2 = arith.muli %add3A, %mul3A_1 : i32
    "tpu.region"() ({
      %run_scoped3A = tpu.sem_alloc : memref<!tpu.dma_semaphore, #tpu.memory_space<semaphore_mem>>
      %dma_start3A_49 = tpu.memref_slice %arg3[%mul3A_2] : memref<1671168xi32, #tpu.memory_space<hbm>> -> memref<52224xi32, #tpu.memory_space<hbm>>
      %dma_start3A_50 = tpu.memref_slice %arg3[%mul3A_2] : memref<1671168xi32, #tpu.memory_space<hbm>> -> memref<52224xi32, #tpu.memory_space<hbm>>
      tpu.enqueue_dma source(%dma_start3A_50 : memref<52224xi32, #tpu.memory_space<hbm>>) target(%arg5 : memref<52224xi32, #tpu.memory_space<vmem>>) target_semaphore(%run_scoped3A : memref<!tpu.dma_semaphore, #tpu.memory_space<semaphore_mem>>)
      %dma_wait3A_51 = tpu.memref_slice %arg3[%mul3A_2] : memref<1671168xi32, #tpu.memory_space<hbm>> -> memref<52224xi32, #tpu.memory_space<hbm>>
      %dma_wait3A_52 = tpu.memref_slice %arg3[%mul3A_2] : memref<1671168xi32, #tpu.memory_space<hbm>> -> memref<52224xi32, #tpu.memory_space<hbm>>
      tpu.wait_dma2 semaphore(%run_scoped3A : memref<!tpu.dma_semaphore, #tpu.memory_space<semaphore_mem>>) src(%dma_wait3A_52 : memref<52224xi32, #tpu.memory_space<hbm>>) dst(%arg5 : memref<52224xi32, #tpu.memory_space<vmem>>)
      tpu.yield
    }) : () -> ()
    %mul3A_3 = arith.constant 52224 : i32
    %mul3A_4 = arith.muli %add3A, %mul3A_3 : i32
    %dma_start3A = arith.constant 0 : i32
    %dma_start3A_5 = tpu.memref_slice %arg5[%dma_start3A] : memref<52224xi32, #tpu.memory_space<vmem>> -> memref<1536xi32, #tpu.memory_space<vmem>>
    %dma_start3A_6 = arith.constant 0 : i32
    %dma_start3A_7 = arith.constant 0 : i32
    %dma_start3A_8 = tpu.memref_slice %arg2[%dma_start3A_6, %dma_start3A_7] : memref<1000000x16xf32, #tpu.memory_space<hbm>> -> memref<1000000x16xf32, #tpu.memory_space<hbm>>
    tpu.enqueue_indirect_dma source(%dma_start3A_8 : memref<1000000x16xf32, #tpu.memory_space<hbm>>) target(%arg6 : memref<1536x16xf32, #tpu.memory_space<vmem>>) offsets(%dma_start3A_5 : memref<1536xi32, #tpu.memory_space<vmem>>) semaphore(%arg8 : memref<!tpu.dma_semaphore, #tpu.memory_space<semaphore_mem>>)
    %dma_start3A_9 = arith.constant 1536 : i32
    %dma_start3A_10 = tpu.memref_slice %arg5[%dma_start3A_9] : memref<52224xi32, #tpu.memory_space<vmem>> -> memref<1536xi32, #tpu.memory_space<vmem>>
    %dma_start3A_11 = arith.constant 0 : i32
    %dma_start3A_12 = arith.constant 0 : i32
    %dma_start3A_13 = tpu.memref_slice %arg2[%dma_start3A_11, %dma_start3A_12] : memref<1000000x16xf32, #tpu.memory_space<hbm>> -> memref<1000000x16xf32, #tpu.memory_space<hbm>>
    tpu.enqueue_indirect_dma source(%dma_start3A_13 : memref<1000000x16xf32, #tpu.memory_space<hbm>>) target(%arg7 : memref<1536x16xf32, #tpu.memory_space<vmem>>) offsets(%dma_start3A_10 : memref<1536xi32, #tpu.memory_space<vmem>>) semaphore(%arg9 : memref<!tpu.dma_semaphore, #tpu.memory_space<semaphore_mem>>)
    %dma_wait3A = arith.constant 0 : i32
    %dma_wait3A_14 = tpu.memref_slice %arg5[%dma_wait3A] : memref<52224xi32, #tpu.memory_space<vmem>> -> memref<1536xi32, #tpu.memory_space<vmem>>
    %dma_wait3A_15 = arith.constant 0 : i32
    %dma_wait3A_16 = arith.constant 0 : i32
    %dma_wait3A_17 = tpu.memref_slice %arg2[%dma_wait3A_15, %dma_wait3A_16] : memref<1000000x16xf32, #tpu.memory_space<hbm>> -> memref<1000000x16xf32, #tpu.memory_space<hbm>>
    tpu.wait_indirect_dma semaphore(%arg8 : memref<!tpu.dma_semaphore, #tpu.memory_space<semaphore_mem>>) src(%dma_wait3A_17 : memref<1000000x16xf32, #tpu.memory_space<hbm>>) dst(%arg6 : memref<1536x16xf32, #tpu.memory_space<vmem>>)
    %add3A_18 = arith.constant 0 : i32
    %add3A_19 = arith.addi %mul3A_4, %add3A_18 : i32
    %dma_start3A_20 = arith.constant 0 : i32
    %dma_start3A_21 = tpu.memref_slice %arg4[%add3A_19, %dma_start3A_20] : memref<1671168x16xf32, #tpu.memory_space<hbm>> -> memref<1536x16xf32, #tpu.memory_space<hbm>>
    %dma_start3A_22 = arith.constant 0 : i32
    %dma_start3A_23 = tpu.memref_slice %arg4[%add3A_19, %dma_start3A_22] : memref<1671168x16xf32, #tpu.memory_space<hbm>> -> memref<1536x16xf32, #tpu.memory_space<hbm>>
    tpu.enqueue_dma source(%arg6 : memref<1536x16xf32, #tpu.memory_space<vmem>>) target(%dma_start3A_23 : memref<1536x16xf32, #tpu.memory_space<hbm>>) target_semaphore(%arg10 : memref<!tpu.dma_semaphore, #tpu.memory_space<semaphore_mem>>)
    %scan3A = arith.constant 0 : i32
    %scan3A_24 = arith.constant 0 : i32
    %scan3A_25 = arith.constant 16 : i32
    %scan3A_26 = arith.addi %scan3A_24, %scan3A_25 : i32
    %scan3A_27 = arith.constant 1 : i32
    %scan3A_28 = scf.for %scan3A_49 = %scan3A_24 to %scan3A_26 step %scan3A_27 iter_args(%scan3A_50 = %scan3A) -> (i32)  : i32 {
      %mul3A_51 = arith.constant 2 : i32
      %mul3A_52 = arith.muli %mul3A_51, %scan3A_49 : i32
      %add3A_53 = arith.constant 1 : i32
      %add3A_54 = arith.addi %mul3A_52, %add3A_53 : i32
      %dma_wait3A_55 = arith.constant 0 : i32
      %dma_wait3A_56 = tpu.memref_slice %arg4[%mul3A_4, %dma_wait3A_55] : memref<1671168x16xf32, #tpu.memory_space<hbm>> -> memref<1536x16xf32, #tpu.memory_space<hbm>>
      %dma_wait3A_57 = arith.constant 0 : i32
      %dma_wait3A_58 = tpu.memref_slice %arg4[%mul3A_4, %dma_wait3A_57] : memref<1671168x16xf32, #tpu.memory_space<hbm>> -> memref<1536x16xf32, #tpu.memory_space<hbm>>
      tpu.wait_dma2 semaphore(%arg10 : memref<!tpu.dma_semaphore, #tpu.memory_space<semaphore_mem>>) src(%arg6 : memref<1536x16xf32, #tpu.memory_space<vmem>>) dst(%dma_wait3A_58 : memref<1536x16xf32, #tpu.memory_space<hbm>>)
      %add3A_59 = arith.constant 1 : i32
      %add3A_60 = arith.addi %add3A_54, %add3A_59 : i32
      %mul3A_61 = arith.constant 1536 : i32
      %mul3A_62 = arith.muli %add3A_60, %mul3A_61 : i32
      %dma_start3A_63 = tpu.memref_slice %arg5[%mul3A_62] : memref<52224xi32, #tpu.memory_space<vmem>> -> memref<1536xi32, #tpu.memory_space<vmem>>
      %dma_start3A_64 = arith.constant 0 : i32
      %dma_start3A_65 = arith.constant 0 : i32
      %dma_start3A_66 = tpu.memref_slice %arg2[%dma_start3A_64, %dma_start3A_65] : memref<1000000x16xf32, #tpu.memory_space<hbm>> -> memref<1000000x16xf32, #tpu.memory_space<hbm>>
      tpu.enqueue_indirect_dma source(%dma_start3A_66 : memref<1000000x16xf32, #tpu.memory_space<hbm>>) target(%arg6 : memref<1536x16xf32, #tpu.memory_space<vmem>>) offsets(%dma_start3A_63 : memref<1536xi32, #tpu.memory_space<vmem>>) semaphore(%arg8 : memref<!tpu.dma_semaphore, #tpu.memory_space<semaphore_mem>>)
      %dma_wait3A_67 = arith.constant 0 : i32
      %dma_wait3A_68 = tpu.memref_slice %arg5[%dma_wait3A_67] : memref<52224xi32, #tpu.memory_space<vmem>> -> memref<1536xi32, #tpu.memory_space<vmem>>
      %dma_wait3A_69 = arith.constant 0 : i32
      %dma_wait3A_70 = arith.constant 0 : i32
      %dma_wait3A_71 = tpu.memref_slice %arg2[%dma_wait3A_69, %dma_wait3A_70] : memref<1000000x16xf32, #tpu.memory_space<hbm>> -> memref<1000000x16xf32, #tpu.memory_space<hbm>>
      tpu.wait_indirect_dma semaphore(%arg9 : memref<!tpu.dma_semaphore, #tpu.memory_space<semaphore_mem>>) src(%dma_wait3A_71 : memref<1000000x16xf32, #tpu.memory_space<hbm>>) dst(%arg7 : memref<1536x16xf32, #tpu.memory_space<vmem>>)
      %mul3A_72 = arith.constant 1536 : i32
      %mul3A_73 = arith.muli %add3A_54, %mul3A_72 : i32
      %add3A_74 = arith.addi %mul3A_4, %mul3A_73 : i32
      %dma_start3A_75 = arith.constant 0 : i32
      %dma_start3A_76 = tpu.memref_slice %arg4[%add3A_74, %dma_start3A_75] : memref<1671168x16xf32, #tpu.memory_space<hbm>> -> memref<1536x16xf32, #tpu.memory_space<hbm>>
      %dma_start3A_77 = arith.constant 0 : i32
      %dma_start3A_78 = tpu.memref_slice %arg4[%add3A_74, %dma_start3A_77] : memref<1671168x16xf32, #tpu.memory_space<hbm>> -> memref<1536x16xf32, #tpu.memory_space<hbm>>
      tpu.enqueue_dma source(%arg7 : memref<1536x16xf32, #tpu.memory_space<vmem>>) target(%dma_start3A_78 : memref<1536x16xf32, #tpu.memory_space<hbm>>) target_semaphore(%arg11 : memref<!tpu.dma_semaphore, #tpu.memory_space<semaphore_mem>>)
      %mul3A_79 = arith.constant 2 : i32
      %mul3A_80 = arith.muli %mul3A_79, %scan3A_49 : i32
      %add3A_81 = arith.constant 2 : i32
      %add3A_82 = arith.addi %mul3A_80, %add3A_81 : i32
      %dma_wait3A_83 = arith.constant 0 : i32
      %dma_wait3A_84 = tpu.memref_slice %arg4[%mul3A_4, %dma_wait3A_83] : memref<1671168x16xf32, #tpu.memory_space<hbm>> -> memref<1536x16xf32, #tpu.memory_space<hbm>>
      %dma_wait3A_85 = arith.constant 0 : i32
      %dma_wait3A_86 = tpu.memref_slice %arg4[%mul3A_4, %dma_wait3A_85] : memref<1671168x16xf32, #tpu.memory_space<hbm>> -> memref<1536x16xf32, #tpu.memory_space<hbm>>
      tpu.wait_dma2 semaphore(%arg11 : memref<!tpu.dma_semaphore, #tpu.memory_space<semaphore_mem>>) src(%arg7 : memref<1536x16xf32, #tpu.memory_space<vmem>>) dst(%dma_wait3A_86 : memref<1536x16xf32, #tpu.memory_space<hbm>>)
      %add3A_87 = arith.constant 1 : i32
      %add3A_88 = arith.addi %add3A_82, %add3A_87 : i32
      %mul3A_89 = arith.constant 1536 : i32
      %mul3A_90 = arith.muli %add3A_88, %mul3A_89 : i32
      %dma_start3A_91 = tpu.memref_slice %arg5[%mul3A_90] : memref<52224xi32, #tpu.memory_space<vmem>> -> memref<1536xi32, #tpu.memory_space<vmem>>
      %dma_start3A_92 = arith.constant 0 : i32
      %dma_start3A_93 = arith.constant 0 : i32
      %dma_start3A_94 = tpu.memref_slice %arg2[%dma_start3A_92, %dma_start3A_93] : memref<1000000x16xf32, #tpu.memory_space<hbm>> -> memref<1000000x16xf32, #tpu.memory_space<hbm>>
      tpu.enqueue_indirect_dma source(%dma_start3A_94 : memref<1000000x16xf32, #tpu.memory_space<hbm>>) target(%arg7 : memref<1536x16xf32, #tpu.memory_space<vmem>>) offsets(%dma_start3A_91 : memref<1536xi32, #tpu.memory_space<vmem>>) semaphore(%arg9 : memref<!tpu.dma_semaphore, #tpu.memory_space<semaphore_mem>>)
      %dma_wait3A_95 = arith.constant 0 : i32
      %dma_wait3A_96 = tpu.memref_slice %arg5[%dma_wait3A_95] : memref<52224xi32, #tpu.memory_space<vmem>> -> memref<1536xi32, #tpu.memory_space<vmem>>
      %dma_wait3A_97 = arith.constant 0 : i32
      %dma_wait3A_98 = arith.constant 0 : i32
      %dma_wait3A_99 = tpu.memref_slice %arg2[%dma_wait3A_97, %dma_wait3A_98] : memref<1000000x16xf32, #tpu.memory_space<hbm>> -> memref<1000000x16xf32, #tpu.memory_space<hbm>>
      tpu.wait_indirect_dma semaphore(%arg8 : memref<!tpu.dma_semaphore, #tpu.memory_space<semaphore_mem>>) src(%dma_wait3A_99 : memref<1000000x16xf32, #tpu.memory_space<hbm>>) dst(%arg6 : memref<1536x16xf32, #tpu.memory_space<vmem>>)
      %mul3A_100 = arith.constant 1536 : i32
      %mul3A_101 = arith.muli %add3A_82, %mul3A_100 : i32
      %add3A_102 = arith.addi %mul3A_4, %mul3A_101 : i32
      %dma_start3A_103 = arith.constant 0 : i32
      %dma_start3A_104 = tpu.memref_slice %arg4[%add3A_102, %dma_start3A_103] : memref<1671168x16xf32, #tpu.memory_space<hbm>> -> memref<1536x16xf32, #tpu.memory_space<hbm>>
      %dma_start3A_105 = arith.constant 0 : i32
      %dma_start3A_106 = tpu.memref_slice %arg4[%add3A_102, %dma_start3A_105] : memref<1671168x16xf32, #tpu.memory_space<hbm>> -> memref<1536x16xf32, #tpu.memory_space<hbm>>
      tpu.enqueue_dma source(%arg6 : memref<1536x16xf32, #tpu.memory_space<vmem>>) target(%dma_start3A_106 : memref<1536x16xf32, #tpu.memory_space<hbm>>) target_semaphore(%arg10 : memref<!tpu.dma_semaphore, #tpu.memory_space<semaphore_mem>>)
      %scan3A_107 = arith.constant 0 : i32
      scf.yield %scan3A_107 : i32
    }
    %scan3A_29 = arith.constant 16 : i32
    %dma_wait3A_30 = arith.constant 0 : i32
    %dma_wait3A_31 = tpu.memref_slice %arg5[%dma_wait3A_30] : memref<52224xi32, #tpu.memory_space<vmem>> -> memref<1536xi32, #tpu.memory_space<vmem>>
    %dma_wait3A_32 = arith.constant 0 : i32
    %dma_wait3A_33 = arith.constant 0 : i32
    %dma_wait3A_34 = tpu.memref_slice %arg2[%dma_wait3A_32, %dma_wait3A_33] : memref<1000000x16xf32, #tpu.memory_space<hbm>> -> memref<1000000x16xf32, #tpu.memory_space<hbm>>
    tpu.wait_indirect_dma semaphore(%arg9 : memref<!tpu.dma_semaphore, #tpu.memory_space<semaphore_mem>>) src(%dma_wait3A_34 : memref<1000000x16xf32, #tpu.memory_space<hbm>>) dst(%arg7 : memref<1536x16xf32, #tpu.memory_space<vmem>>)
    %add3A_35 = arith.constant 50688 : i32
    %add3A_36 = arith.addi %mul3A_4, %add3A_35 : i32
    %dma_start3A_37 = arith.constant 0 : i32
    %dma_start3A_38 = tpu.memref_slice %arg4[%add3A_36, %dma_start3A_37] : memref<1671168x16xf32, #tpu.memory_space<hbm>> -> memref<1536x16xf32, #tpu.memory_space<hbm>>
    %dma_start3A_39 = arith.constant 0 : i32
    %dma_start3A_40 = tpu.memref_slice %arg4[%add3A_36, %dma_start3A_39] : memref<1671168x16xf32, #tpu.memory_space<hbm>> -> memref<1536x16xf32, #tpu.memory_space<hbm>>
    tpu.enqueue_dma source(%arg7 : memref<1536x16xf32, #tpu.memory_space<vmem>>) target(%dma_start3A_40 : memref<1536x16xf32, #tpu.memory_space<hbm>>) target_semaphore(%arg11 : memref<!tpu.dma_semaphore, #tpu.memory_space<semaphore_mem>>)
    %dma_wait3A_41 = arith.constant 0 : i32
    %dma_wait3A_42 = tpu.memref_slice %arg4[%mul3A_4, %dma_wait3A_41] : memref<1671168x16xf32, #tpu.memory_space<hbm>> -> memref<1536x16xf32, #tpu.memory_space<hbm>>
    %dma_wait3A_43 = arith.constant 0 : i32
    %dma_wait3A_44 = tpu.memref_slice %arg4[%mul3A_4, %dma_wait3A_43] : memref<1671168x16xf32, #tpu.memory_space<hbm>> -> memref<1536x16xf32, #tpu.memory_space<hbm>>
    tpu.wait_dma2 semaphore(%arg10 : memref<!tpu.dma_semaphore, #tpu.memory_space<semaphore_mem>>) src(%arg6 : memref<1536x16xf32, #tpu.memory_space<vmem>>) dst(%dma_wait3A_44 : memref<1536x16xf32, #tpu.memory_space<hbm>>)
    %dma_wait3A_45 = arith.constant 0 : i32
    %dma_wait3A_46 = tpu.memref_slice %arg4[%mul3A_4, %dma_wait3A_45] : memref<1671168x16xf32, #tpu.memory_space<hbm>> -> memref<1536x16xf32, #tpu.memory_space<hbm>>
    %dma_wait3A_47 = arith.constant 0 : i32
    %dma_wait3A_48 = tpu.memref_slice %arg4[%mul3A_4, %dma_wait3A_47] : memref<1671168x16xf32, #tpu.memory_space<hbm>> -> memref<1536x16xf32, #tpu.memory_space<hbm>>
    tpu.wait_dma2 semaphore(%arg11 : memref<!tpu.dma_semaphore, #tpu.memory_space<semaphore_mem>>) src(%arg7 : memref<1536x16xf32, #tpu.memory_space<vmem>>) dst(%dma_wait3A_48 : memref<1536x16xf32, #tpu.memory_space<hbm>>)
    return
  }
}

module attributes {stable_mosaic.version = 14 : i64} {
  func.func @_tc_body(%arg0: i32, %arg1: i32, %arg2: memref<3200x128xf32, #tpu.memory_space<vmem>>, %arg3: memref<3200x128xf32, #tpu.memory_space<vmem>>, %arg4: memref<4096x16xf32, #tpu.memory_space<vmem>>, %arg5: memref<4096x16xf32, #tpu.memory_space<vmem>>, %arg6: memref<4096x16xf32, #tpu.memory_space<vmem>>, %arg7: memref<4096x2xf32, #tpu.memory_space<vmem>>, %arg8: memref<3200x128xf32, #tpu.memory_space<vmem>>, %arg9: memref<3200x128xf32, #tpu.memory_space<vmem>>, %arg10: memref<16x128xf32, #tpu.memory_space<vmem>>, %arg11: memref<128x16xf32, #tpu.memory_space<vmem>>, %arg12: memref<16x128xf32, #tpu.memory_space<vmem>>, %arg13: memref<128x128xf32, #tpu.memory_space<vmem>>, %arg14: memref<128x128xf32, #tpu.memory_space<vmem>>, %arg15: memref<1x128xf32, #tpu.memory_space<vmem>>, %arg16: memref<1x16xf32, #tpu.memory_space<vmem>>, %arg17: memref<1x16xf32, #tpu.memory_space<vmem>>, %arg18: memref<1x128xf32, #tpu.memory_space<vmem>>, %arg19: memref<128x128xf32, #tpu.memory_space<vmem>>, %arg20: memref<1x128xf32, #tpu.memory_space<vmem>>, %arg21: memref<1x16xf32, #tpu.memory_space<vmem>>, %arg22: memref<1x16xf32, #tpu.memory_space<vmem>>, %arg23: memref<1x128xf32, #tpu.memory_space<vmem>>, %arg24: memref<128x128xf32, #tpu.memory_space<vmem>>, %arg25: memref<1x1xf32, #tpu.memory_space<vmem>>, %arg26: memref<80x32xf32, #tpu.memory_space<vmem>>, %arg27: memref<1x32xf32, #tpu.memory_space<vmem>>, %arg28: memref<1x32xf32, #tpu.memory_space<vmem>>, %arg29: memref<1x32xf32, #tpu.memory_space<vmem>>, %arg30: memref<1x32xf32, #tpu.memory_space<vmem>>, %arg31: memref<32x16xf32, #tpu.memory_space<vmem>>, %arg32: memref<1x16xf32, #tpu.memory_space<vmem>>, %arg33: memref<1x16xf32, #tpu.memory_space<vmem>>, %arg34: memref<1x16xf32, #tpu.memory_space<vmem>>, %arg35: memref<1x16xf32, #tpu.memory_space<vmem>>, %arg36: memref<16x1xf32, #tpu.memory_space<vmem>>, %arg37: memref<1x1xf32, #tpu.memory_space<vmem>>, %arg38: memref<4096x1xf32, #tpu.memory_space<vmem>>, %arg39: memref<8x16xf32, #tpu.memory_space<vmem>>, %arg40: memref<4096x16xf32, #tpu.memory_space<vmem>>, %arg41: memref<4096x16xf32, #tpu.memory_space<vmem>>) attributes {dimension_semantics = [#tpu.dimension_semantics<arbitrary>, #tpu.dimension_semantics<arbitrary>], iteration_bounds = array<i64: 3, 32>, scalar_prefetch = 0 : i64, scratch_operands = 3 : i64, tpu.core_type = #tpu.core_type<tc>, window_params = [{transform_indices = @transform_0, window_bounds = array<i64: 3200, 128>}, {transform_indices = @transform_1, window_bounds = array<i64: 3200, 128>}, {pipeline_mode = #tpu.pipeline_mode<synchronous>, transform_indices = @transform_2, window_bounds = array<i64: 4096, 16>}, {pipeline_mode = #tpu.pipeline_mode<synchronous>, transform_indices = @transform_3, window_bounds = array<i64: 4096, 16>}, {pipeline_mode = #tpu.pipeline_mode<synchronous>, transform_indices = @transform_4, window_bounds = array<i64: 4096, 16>}, {pipeline_mode = #tpu.pipeline_mode<synchronous>, transform_indices = @transform_5, window_bounds = array<i64: 4096, 2>}, {pipeline_mode = #tpu.pipeline_mode<synchronous>, transform_indices = @transform_6, window_bounds = array<i64: 3200, 128>}, {pipeline_mode = #tpu.pipeline_mode<synchronous>, transform_indices = @transform_7, window_bounds = array<i64: 3200, 128>}, {pipeline_mode = #tpu.pipeline_mode<synchronous>, transform_indices = @transform_8, window_bounds = array<i64: 16, 128>}, {pipeline_mode = #tpu.pipeline_mode<synchronous>, transform_indices = @transform_9, window_bounds = array<i64: 128, 16>}, {pipeline_mode = #tpu.pipeline_mode<synchronous>, transform_indices = @transform_10, window_bounds = array<i64: 16, 128>}, {pipeline_mode = #tpu.pipeline_mode<synchronous>, transform_indices = @transform_11, window_bounds = array<i64: 128, 128>}, {pipeline_mode = #tpu.pipeline_mode<synchronous>, transform_indices = @transform_12, window_bounds = array<i64: 128, 128>}, {pipeline_mode = #tpu.pipeline_mode<synchronous>, transform_indices = @transform_13, window_bounds = array<i64: 1, 128>}, {pipeline_mode = #tpu.pipeline_mode<synchronous>, transform_indices = @transform_14, window_bounds = array<i64: 1, 16>}, {pipeline_mode = #tpu.pipeline_mode<synchronous>, transform_indices = @transform_15, window_bounds = array<i64: 1, 16>}, {pipeline_mode = #tpu.pipeline_mode<synchronous>, transform_indices = @transform_16, window_bounds = array<i64: 1, 128>}, {pipeline_mode = #tpu.pipeline_mode<synchronous>, transform_indices = @transform_17, window_bounds = array<i64: 128, 128>}, {pipeline_mode = #tpu.pipeline_mode<synchronous>, transform_indices = @transform_18, window_bounds = array<i64: 1, 128>}, {pipeline_mode = #tpu.pipeline_mode<synchronous>, transform_indices = @transform_19, window_bounds = array<i64: 1, 16>}, {pipeline_mode = #tpu.pipeline_mode<synchronous>, transform_indices = @transform_20, window_bounds = array<i64: 1, 16>}, {pipeline_mode = #tpu.pipeline_mode<synchronous>, transform_indices = @transform_21, window_bounds = array<i64: 1, 128>}, {pipeline_mode = #tpu.pipeline_mode<synchronous>, transform_indices = @transform_22, window_bounds = array<i64: 128, 128>}, {pipeline_mode = #tpu.pipeline_mode<synchronous>, transform_indices = @transform_23, window_bounds = array<i64: 1, 1>}, {pipeline_mode = #tpu.pipeline_mode<synchronous>, transform_indices = @transform_24, window_bounds = array<i64: 80, 32>}, {pipeline_mode = #tpu.pipeline_mode<synchronous>, transform_indices = @transform_25, window_bounds = array<i64: 1, 32>}, {pipeline_mode = #tpu.pipeline_mode<synchronous>, transform_indices = @transform_26, window_bounds = array<i64: 1, 32>}, {pipeline_mode = #tpu.pipeline_mode<synchronous>, transform_indices = @transform_27, window_bounds = array<i64: 1, 32>}, {pipeline_mode = #tpu.pipeline_mode<synchronous>, transform_indices = @transform_28, window_bounds = array<i64: 1, 32>}, {pipeline_mode = #tpu.pipeline_mode<synchronous>, transform_indices = @transform_29, window_bounds = array<i64: 32, 16>}, {pipeline_mode = #tpu.pipeline_mode<synchronous>, transform_indices = @transform_30, window_bounds = array<i64: 1, 16>}, {pipeline_mode = #tpu.pipeline_mode<synchronous>, transform_indices = @transform_31, window_bounds = array<i64: 1, 16>}, {pipeline_mode = #tpu.pipeline_mode<synchronous>, transform_indices = @transform_32, window_bounds = array<i64: 1, 16>}, {pipeline_mode = #tpu.pipeline_mode<synchronous>, transform_indices = @transform_33, window_bounds = array<i64: 1, 16>}, {pipeline_mode = #tpu.pipeline_mode<synchronous>, transform_indices = @transform_34, window_bounds = array<i64: 16, 1>}, {pipeline_mode = #tpu.pipeline_mode<synchronous>, transform_indices = @transform_35, window_bounds = array<i64: 1, 1>}, {pipeline_mode = #tpu.pipeline_mode<synchronous>, transform_indices = @transform_36, window_bounds = array<i64: 4096, 1>}]} {
    %eq3A = arith.constant 0 : i32
    %eq3A_0 = arith.cmpi eq, %arg0, %eq3A : i32
    %eq3A_1 = arith.constant 0 : i32
    %eq3A_2 = arith.cmpi eq, %arg1, %eq3A_1 : i32
    %and3A = arith.andi %eq3A_0, %eq3A_2 : i1
    %convert_element_type3A = arith.extui %and3A : i1 to i32
    %cond3A = arith.constant 0 : i32
    %cond3A_3 = arith.cmpi ne, %convert_element_type3A, %cond3A : i32
    scf.if %cond3A_3 {
      %broadcast_in_dim3A = arith.constant 0.000000e+00 : f32
      %broadcast_in_dim3A_42 = vector.broadcast %broadcast_in_dim3A : f32 to vector<8x16xf32>
      %swap3A = arith.constant 0 : index
      %swap3A_43 = arith.constant 0 : index
      %swap3A_44 = vector.load %arg39[%swap3A, %swap3A_43] : memref<8x16xf32, #tpu.memory_space<vmem>>, vector<8x16xf32>
      tpu.vector_store %arg39[%swap3A, %swap3A_43], %broadcast_in_dim3A_42 {strides = array<i32>} : memref<8x16xf32, #tpu.memory_space<vmem>>, vector<8x16xf32>,
    } else {
    }
    %eq3A_4 = arith.constant 0 : i32
    %eq3A_5 = arith.cmpi eq, %arg0, %eq3A_4 : i32
    %convert_element_type3A_6 = arith.extui %eq3A_5 : i1 to i32
    %cond3A_7 = arith.constant 0 : i32
    %cond3A_8 = arith.cmpi ne, %convert_element_type3A_6, %cond3A_7 : i32
    scf.if %cond3A_8 {
      %get3A = arith.constant 0 : index
      %get3A_42 = arith.constant 0 : index
      %get3A_43 = vector.load %arg2[%get3A, %get3A_42] : memref<3200x128xf32, #tpu.memory_space<vmem>>, vector<3200x128xf32>
      %mul3A = arith.constant 128 : i32
      %mul3A_44 = arith.muli %arg1, %mul3A : i32
      %get3A_45 = arith.index_cast %mul3A_44 : i32 to index
      %get3A_46 = arith.constant 0 : index
      %get3A_47 = vector.load %arg5[%get3A_45, %get3A_46] : memref<4096x16xf32, #tpu.memory_space<vmem>>, vector<128x16xf32>
      %get3A_48 = arith.constant 0 : index
      %get3A_49 = arith.constant 0 : index
      %get3A_50 = vector.load %arg8[%get3A_48, %get3A_49] : memref<3200x128xf32, #tpu.memory_space<vmem>>, vector<3200x128xf32>
      %convert_element_type3A_51 = arith.truncf %get3A_50 : vector<3200x128xf32> to vector<3200x128xbf16>
      %get3A_52 = arith.constant 0 : index
      %get3A_53 = arith.constant 0 : index
      %get3A_54 = vector.load %arg10[%get3A_52, %get3A_53] : memref<16x128xf32, #tpu.memory_space<vmem>>, vector<16x128xf32>
      %dot_general3A = arith.constant dense<0.000000e+00> : vector<128x128xf32>
      %dot_general3A_55 = tpu.matmul %get3A_47, %get3A_54, %dot_general3A {dimension_numbers = #tpu.dot_dimension_numbers<[1], [0], [0], [1], [0, 0, 1, 1], [], []>, transpose_lhs_hint = false} : vector<128x16xf32>, vector<16x128xf32>, vector<128x128xf32> -> vector<128x128xf32>
      %convert_element_type3A_56 = arith.truncf %dot_general3A_55 : vector<128x128xf32> to vector<128x128xbf16>
      %dot_general3A_57 = arith.constant dense<0.000000e+00> : vector<3200x128xf32>
      %dot_general3A_58 = tpu.matmul %convert_element_type3A_51, %convert_element_type3A_56, %dot_general3A_57 {dimension_numbers = #tpu.dot_dimension_numbers<[1], [0], [0], [1], [0, 0, 1, 1], [], []>, transpose_lhs_hint = false} : vector<3200x128xbf16>, vector<128x128xbf16>, vector<3200x128xf32> -> vector<3200x128xf32>
      %get3A_59 = arith.constant 0 : index
      %get3A_60 = arith.constant 0 : index
      %get3A_61 = vector.load %arg12[%get3A_59, %get3A_60] : memref<16x128xf32, #tpu.memory_space<vmem>>, vector<16x128xf32>
      %dot_general3A_62 = arith.constant dense<0.000000e+00> : vector<128x128xf32>
      %dot_general3A_63 = tpu.matmul %get3A_47, %get3A_61, %dot_general3A_62 {dimension_numbers = #tpu.dot_dimension_numbers<[1], [0], [0], [1], [0, 0, 1, 1], [], []>, transpose_lhs_hint = false} : vector<128x16xf32>, vector<16x128xf32>, vector<128x128xf32> -> vector<128x128xf32>
      %convert_element_type3A_64 = arith.truncf %dot_general3A_63 : vector<128x128xf32> to vector<128x128xbf16>
      %dot_general3A_65 = arith.constant dense<0.000000e+00> : vector<3200x128xf32>
      %dot_general3A_66 = tpu.matmul %convert_element_type3A_51, %convert_element_type3A_64, %dot_general3A_65 {dimension_numbers = #tpu.dot_dimension_numbers<[1], [0], [0], [1], [0, 0, 1, 1], [], []>, transpose_lhs_hint = false} : vector<3200x128xbf16>, vector<128x128xbf16>, vector<3200x128xf32> -> vector<3200x128xf32>
      %convert_element_type3A_67 = arith.truncf %get3A_43 : vector<3200x128xf32> to vector<3200x128xbf16>
      %get3A_68 = arith.constant 0 : index
      %get3A_69 = arith.constant 0 : index
      %get3A_70 = vector.load %arg13[%get3A_68, %get3A_69] : memref<128x128xf32, #tpu.memory_space<vmem>>, vector<128x128xf32>
      %convert_element_type3A_71 = arith.truncf %get3A_70 : vector<128x128xf32> to vector<128x128xbf16>
      %dot_general3A_72 = arith.constant dense<0.000000e+00> : vector<3200x128xf32>
      %dot_general3A_73 = tpu.matmul %convert_element_type3A_67, %convert_element_type3A_71, %dot_general3A_72 {dimension_numbers = #tpu.dot_dimension_numbers<[1], [0], [0], [1], [0, 0, 1, 1], [], []>, transpose_lhs_hint = false} : vector<3200x128xbf16>, vector<128x128xbf16>, vector<3200x128xf32> -> vector<3200x128xf32>
      %mul3A_74 = arith.mulf %dot_general3A_58, %get3A_43 : vector<3200x128xf32>
      %convert_element_type3A_75 = arith.truncf %mul3A_74 : vector<3200x128xf32> to vector<3200x128xbf16>
      %get3A_76 = arith.constant 0 : index
      %get3A_77 = arith.constant 0 : index
      %get3A_78 = vector.load %arg14[%get3A_76, %get3A_77] : memref<128x128xf32, #tpu.memory_space<vmem>>, vector<128x128xf32>
      %convert_element_type3A_79 = arith.truncf %get3A_78 : vector<128x128xf32> to vector<128x128xbf16>
      %dot_general3A_80 = arith.constant dense<0.000000e+00> : vector<3200x128xf32>
      %dot_general3A_81 = tpu.matmul %convert_element_type3A_75, %convert_element_type3A_79, %dot_general3A_80 {dimension_numbers = #tpu.dot_dimension_numbers<[1], [0], [0], [1], [0, 0, 1, 1], [], []>, transpose_lhs_hint = false} : vector<3200x128xbf16>, vector<128x128xbf16>, vector<3200x128xf32> -> vector<3200x128xf32>
      %add3A = arith.addf %dot_general3A_73, %dot_general3A_81 : vector<3200x128xf32>
      %add3A_82 = arith.addf %add3A, %dot_general3A_66 : vector<3200x128xf32>
      %get3A_83 = arith.constant 0 : index
      %get3A_84 = arith.constant 0 : index
      %get3A_85 = vector.load %arg15[%get3A_83, %get3A_84] : memref<1x128xf32, #tpu.memory_space<vmem>>, vector<1x128xf32>
      %add3A_86 = vector.broadcast %get3A_85 : vector<1x128xf32> to vector<3200x128xf32>
      %add3A_87 = arith.addf %add3A_82, %add3A_86 : vector<3200x128xf32>
      %get3A_88 = arith.constant 0 : index
      %get3A_89 = arith.constant 0 : index
      %get3A_90 = vector.load %arg39[%get3A_88, %get3A_89] : memref<8x16xf32, #tpu.memory_space<vmem>>, vector<1x16xf32>
      %reduce_sum3A = arith.constant dense<0.000000e+00> : vector<128xf32>
      %reduce_sum3A_91 = vector.multi_reduction <add>, %add3A_87, %reduce_sum3A [0] : vector<3200x128xf32> to vector<128xf32>
      %broadcast_in_dim3A = vector.shape_cast %reduce_sum3A_91 : vector<128xf32> to vector<1x128xf32>
      %get3A_92 = arith.constant 0 : index
      %get3A_93 = arith.constant 0 : index
      %get3A_94 = vector.load %arg11[%get3A_92, %get3A_93] : memref<128x16xf32, #tpu.memory_space<vmem>>, vector<128x16xf32>
      %dot_general3A_95 = arith.constant dense<0.000000e+00> : vector<1x16xf32>
      %dot_general3A_96 = tpu.matmul %broadcast_in_dim3A, %get3A_94, %dot_general3A_95 {dimension_numbers = #tpu.dot_dimension_numbers<[1], [0], [0], [1], [0, 0, 1, 1], [], []>, transpose_lhs_hint = false} : vector<1x128xf32>, vector<128x16xf32>, vector<1x16xf32> -> vector<1x16xf32>
      %add3A_97 = arith.addf %get3A_90, %dot_general3A_96 : vector<1x16xf32>
      %swap3A = arith.constant 0 : index
      %swap3A_98 = arith.constant 0 : index
      %swap3A_99 = vector.load %arg39[%swap3A, %swap3A_98] : memref<8x16xf32, #tpu.memory_space<vmem>>, vector<1x16xf32>
      tpu.vector_store %arg39[%swap3A, %swap3A_98], %add3A_97 {strides = array<i32>} : memref<8x16xf32, #tpu.memory_space<vmem>>, vector<1x16xf32>,
      %get3A_100 = arith.constant 1 : index
      %get3A_101 = arith.constant 0 : index
      %get3A_102 = vector.load %arg39[%get3A_100, %get3A_101] : memref<8x16xf32, #tpu.memory_space<vmem>>, vector<1x16xf32>
      %mul3A_103 = arith.mulf %add3A_87, %add3A_87 : vector<3200x128xf32>
      %reduce_sum3A_104 = arith.constant dense<0.000000e+00> : vector<128xf32>
      %reduce_sum3A_105 = vector.multi_reduction <add>, %mul3A_103, %reduce_sum3A_104 [0] : vector<3200x128xf32> to vector<128xf32>
      %broadcast_in_dim3A_106 = vector.shape_cast %reduce_sum3A_105 : vector<128xf32> to vector<1x128xf32>
      %get3A_107 = arith.constant 0 : index
      %get3A_108 = arith.constant 0 : index
      %get3A_109 = vector.load %arg11[%get3A_107, %get3A_108] : memref<128x16xf32, #tpu.memory_space<vmem>>, vector<128x16xf32>
      %dot_general3A_110 = arith.constant dense<0.000000e+00> : vector<1x16xf32>
      %dot_general3A_111 = tpu.matmul %broadcast_in_dim3A_106, %get3A_109, %dot_general3A_110 {dimension_numbers = #tpu.dot_dimension_numbers<[1], [0], [0], [1], [0, 0, 1, 1], [], []>, transpose_lhs_hint = false} : vector<1x128xf32>, vector<128x16xf32>, vector<1x16xf32> -> vector<1x16xf32>
      %add3A_112 = arith.addf %get3A_102, %dot_general3A_111 : vector<1x16xf32>
      %swap3A_113 = arith.constant 1 : index
      %swap3A_114 = arith.constant 0 : index
      %swap3A_115 = vector.load %arg39[%swap3A_113, %swap3A_114] : memref<8x16xf32, #tpu.memory_space<vmem>>, vector<1x16xf32>
      tpu.vector_store %arg39[%swap3A_113, %swap3A_114], %add3A_112 {strides = array<i32>} : memref<8x16xf32, #tpu.memory_space<vmem>>, vector<1x16xf32>,
    } else {
    }
    %eq3A_9 = arith.constant 1 : i32
    %eq3A_10 = arith.cmpi eq, %arg0, %eq3A_9 : i32
    %convert_element_type3A_11 = arith.extui %eq3A_10 : i1 to i32
    %cond3A_12 = arith.constant 0 : i32
    %cond3A_13 = arith.cmpi ne, %convert_element_type3A_11, %cond3A_12 : i32
    scf.if %cond3A_13 {
      %get3A = arith.constant 0 : index
      %get3A_42 = arith.constant 0 : index
      %get3A_43 = vector.load %arg2[%get3A, %get3A_42] : memref<3200x128xf32, #tpu.memory_space<vmem>>, vector<3200x128xf32>
      %mul3A = arith.constant 128 : i32
      %mul3A_44 = arith.muli %arg1, %mul3A : i32
      %get3A_45 = arith.index_cast %mul3A_44 : i32 to index
      %get3A_46 = arith.constant 0 : index
      %get3A_47 = vector.load %arg5[%get3A_45, %get3A_46] : memref<4096x16xf32, #tpu.memory_space<vmem>>, vector<128x16xf32>
      %get3A_48 = arith.constant 0 : index
      %get3A_49 = arith.constant 0 : index
      %get3A_50 = vector.load %arg8[%get3A_48, %get3A_49] : memref<3200x128xf32, #tpu.memory_space<vmem>>, vector<3200x128xf32>
      %convert_element_type3A_51 = arith.truncf %get3A_50 : vector<3200x128xf32> to vector<3200x128xbf16>
      %get3A_52 = arith.constant 0 : index
      %get3A_53 = arith.constant 0 : index
      %get3A_54 = vector.load %arg10[%get3A_52, %get3A_53] : memref<16x128xf32, #tpu.memory_space<vmem>>, vector<16x128xf32>
      %dot_general3A = arith.constant dense<0.000000e+00> : vector<128x128xf32>
      %dot_general3A_55 = tpu.matmul %get3A_47, %get3A_54, %dot_general3A {dimension_numbers = #tpu.dot_dimension_numbers<[1], [0], [0], [1], [0, 0, 1, 1], [], []>, transpose_lhs_hint = false} : vector<128x16xf32>, vector<16x128xf32>, vector<128x128xf32> -> vector<128x128xf32>
      %convert_element_type3A_56 = arith.truncf %dot_general3A_55 : vector<128x128xf32> to vector<128x128xbf16>
      %dot_general3A_57 = arith.constant dense<0.000000e+00> : vector<3200x128xf32>
      %dot_general3A_58 = tpu.matmul %convert_element_type3A_51, %convert_element_type3A_56, %dot_general3A_57 {dimension_numbers = #tpu.dot_dimension_numbers<[1], [0], [0], [1], [0, 0, 1, 1], [], []>, transpose_lhs_hint = false} : vector<3200x128xbf16>, vector<128x128xbf16>, vector<3200x128xf32> -> vector<3200x128xf32>
      %get3A_59 = arith.constant 0 : index
      %get3A_60 = arith.constant 0 : index
      %get3A_61 = vector.load %arg12[%get3A_59, %get3A_60] : memref<16x128xf32, #tpu.memory_space<vmem>>, vector<16x128xf32>
      %dot_general3A_62 = arith.constant dense<0.000000e+00> : vector<128x128xf32>
      %dot_general3A_63 = tpu.matmul %get3A_47, %get3A_61, %dot_general3A_62 {dimension_numbers = #tpu.dot_dimension_numbers<[1], [0], [0], [1], [0, 0, 1, 1], [], []>, transpose_lhs_hint = false} : vector<128x16xf32>, vector<16x128xf32>, vector<128x128xf32> -> vector<128x128xf32>
      %convert_element_type3A_64 = arith.truncf %dot_general3A_63 : vector<128x128xf32> to vector<128x128xbf16>
      %dot_general3A_65 = arith.constant dense<0.000000e+00> : vector<3200x128xf32>
      %dot_general3A_66 = tpu.matmul %convert_element_type3A_51, %convert_element_type3A_64, %dot_general3A_65 {dimension_numbers = #tpu.dot_dimension_numbers<[1], [0], [0], [1], [0, 0, 1, 1], [], []>, transpose_lhs_hint = false} : vector<3200x128xbf16>, vector<128x128xbf16>, vector<3200x128xf32> -> vector<3200x128xf32>
      %convert_element_type3A_67 = arith.truncf %get3A_43 : vector<3200x128xf32> to vector<3200x128xbf16>
      %get3A_68 = arith.constant 0 : index
      %get3A_69 = arith.constant 0 : index
      %get3A_70 = vector.load %arg13[%get3A_68, %get3A_69] : memref<128x128xf32, #tpu.memory_space<vmem>>, vector<128x128xf32>
      %convert_element_type3A_71 = arith.truncf %get3A_70 : vector<128x128xf32> to vector<128x128xbf16>
      %dot_general3A_72 = arith.constant dense<0.000000e+00> : vector<3200x128xf32>
      %dot_general3A_73 = tpu.matmul %convert_element_type3A_67, %convert_element_type3A_71, %dot_general3A_72 {dimension_numbers = #tpu.dot_dimension_numbers<[1], [0], [0], [1], [0, 0, 1, 1], [], []>, transpose_lhs_hint = false} : vector<3200x128xbf16>, vector<128x128xbf16>, vector<3200x128xf32> -> vector<3200x128xf32>
      %mul3A_74 = arith.mulf %dot_general3A_58, %get3A_43 : vector<3200x128xf32>
      %convert_element_type3A_75 = arith.truncf %mul3A_74 : vector<3200x128xf32> to vector<3200x128xbf16>
      %get3A_76 = arith.constant 0 : index
      %get3A_77 = arith.constant 0 : index
      %get3A_78 = vector.load %arg14[%get3A_76, %get3A_77] : memref<128x128xf32, #tpu.memory_space<vmem>>, vector<128x128xf32>
      %convert_element_type3A_79 = arith.truncf %get3A_78 : vector<128x128xf32> to vector<128x128xbf16>
      %dot_general3A_80 = arith.constant dense<0.000000e+00> : vector<3200x128xf32>
      %dot_general3A_81 = tpu.matmul %convert_element_type3A_75, %convert_element_type3A_79, %dot_general3A_80 {dimension_numbers = #tpu.dot_dimension_numbers<[1], [0], [0], [1], [0, 0, 1, 1], [], []>, transpose_lhs_hint = false} : vector<3200x128xbf16>, vector<128x128xbf16>, vector<3200x128xf32> -> vector<3200x128xf32>
      %add3A = arith.addf %dot_general3A_73, %dot_general3A_81 : vector<3200x128xf32>
      %add3A_82 = arith.addf %add3A, %dot_general3A_66 : vector<3200x128xf32>
      %get3A_83 = arith.constant 0 : index
      %get3A_84 = arith.constant 0 : index
      %get3A_85 = vector.load %arg15[%get3A_83, %get3A_84] : memref<1x128xf32, #tpu.memory_space<vmem>>, vector<1x128xf32>
      %add3A_86 = vector.broadcast %get3A_85 : vector<1x128xf32> to vector<3200x128xf32>
      %add3A_87 = arith.addf %add3A_82, %add3A_86 : vector<3200x128xf32>
      %get3A_88 = arith.constant 0 : index
      %get3A_89 = arith.constant 0 : index
      %get3A_90 = vector.load %arg39[%get3A_88, %get3A_89] : memref<8x16xf32, #tpu.memory_space<vmem>>, vector<1x16xf32>
      %get3A_91 = arith.constant 1 : index
      %get3A_92 = arith.constant 0 : index
      %get3A_93 = vector.load %arg39[%get3A_91, %get3A_92] : memref<8x16xf32, #tpu.memory_space<vmem>>, vector<1x16xf32>
      %get3A_94 = arith.constant 0 : index
      %get3A_95 = arith.constant 0 : index
      %get3A_96 = vector.load %arg16[%get3A_94, %get3A_95] : memref<1x16xf32, #tpu.memory_space<vmem>>, vector<1x16xf32>
      %get3A_97 = arith.constant 0 : index
      %get3A_98 = arith.constant 0 : index
      %get3A_99 = vector.load %arg17[%get3A_97, %get3A_98] : memref<1x16xf32, #tpu.memory_space<vmem>>, vector<1x16xf32>
      %div3A = arith.constant 8.192000e+05 : f32
      %div3A_100 = vector.broadcast %div3A : f32 to vector<1x16xf32>
      %div3A_101 = arith.divf %get3A_90, %div3A_100 : vector<1x16xf32>
      %div3A_102 = arith.constant 8.192000e+05 : f32
      %div3A_103 = vector.broadcast %div3A_102 : f32 to vector<1x16xf32>
      %div3A_104 = arith.divf %get3A_93, %div3A_103 : vector<1x16xf32>
      %mul3A_105 = arith.mulf %div3A_101, %div3A_101 : vector<1x16xf32>
      %sub3A = arith.subf %div3A_104, %mul3A_105 : vector<1x16xf32>
      %max3A = arith.constant 0.000000e+00 : f32
      %max3A_106 = vector.broadcast %max3A : f32 to vector<1x16xf32>
      %max3A_107 = arith.maximumf %sub3A, %max3A_106 : vector<1x16xf32>
      %add3A_108 = arith.constant 9.99999974E-6 : f32
      %add3A_109 = vector.broadcast %add3A_108 : f32 to vector<1x16xf32>
      %add3A_110 = arith.addf %max3A_107, %add3A_109 : vector<1x16xf32>
      %rsqrt3A = math.rsqrt %add3A_110 : vector<1x16xf32>
      %mul3A_111 = arith.mulf %get3A_96, %rsqrt3A : vector<1x16xf32>
      %mul3A_112 = arith.mulf %mul3A_111, %div3A_101 : vector<1x16xf32>
      %sub3A_113 = arith.subf %get3A_99, %mul3A_112 : vector<1x16xf32>
      %mul3A_114 = arith.mulf %mul3A_111, %div3A_101 : vector<1x16xf32>
      %add3A_115 = arith.addf %mul3A_114, %sub3A_113 : vector<1x16xf32>
      %mul3A_116 = arith.mulf %mul3A_111, %mul3A_111 : vector<1x16xf32>
      %mul3A_117 = arith.mulf %mul3A_116, %max3A_107 : vector<1x16xf32>
      %get3A_118 = arith.constant 0 : index
      %get3A_119 = arith.constant 0 : index
      %get3A_120 = vector.load %arg10[%get3A_118, %get3A_119] : memref<16x128xf32, #tpu.memory_space<vmem>>, vector<16x128xf32>
      %dot_general3A_121 = arith.constant dense<0.000000e+00> : vector<1x128xf32>
      %dot_general3A_122 = tpu.matmul %mul3A_111, %get3A_120, %dot_general3A_121 {dimension_numbers = #tpu.dot_dimension_numbers<[1], [0], [0], [1], [0, 0, 1, 1], [], []>, transpose_lhs_hint = false} : vector<1x16xf32>, vector<16x128xf32>, vector<1x128xf32> -> vector<1x128xf32>
      %mul3A_123 = vector.broadcast %dot_general3A_122 : vector<1x128xf32> to vector<3200x128xf32>
      %mul3A_124 = arith.mulf %add3A_87, %mul3A_123 : vector<3200x128xf32>
      %get3A_125 = arith.constant 0 : index
      %get3A_126 = arith.constant 0 : index
      %get3A_127 = vector.load %arg10[%get3A_125, %get3A_126] : memref<16x128xf32, #tpu.memory_space<vmem>>, vector<16x128xf32>
      %dot_general3A_128 = arith.constant dense<0.000000e+00> : vector<1x128xf32>
      %dot_general3A_129 = tpu.matmul %sub3A_113, %get3A_127, %dot_general3A_128 {dimension_numbers = #tpu.dot_dimension_numbers<[1], [0], [0], [1], [0, 0, 1, 1], [], []>, transpose_lhs_hint = false} : vector<1x16xf32>, vector<16x128xf32>, vector<1x128xf32> -> vector<1x128xf32>
      %add3A_130 = vector.broadcast %dot_general3A_129 : vector<1x128xf32> to vector<3200x128xf32>
      %add3A_131 = arith.addf %mul3A_124, %add3A_130 : vector<3200x128xf32>
      %get3A_132 = arith.constant 0 : index
      %get3A_133 = arith.constant 0 : index
      %get3A_134 = vector.load %arg10[%get3A_132, %get3A_133] : memref<16x128xf32, #tpu.memory_space<vmem>>, vector<16x128xf32>
      %dot_general3A_135 = arith.constant dense<0.000000e+00> : vector<1x128xf32>
      %dot_general3A_136 = tpu.matmul %add3A_115, %get3A_134, %dot_general3A_135 {dimension_numbers = #tpu.dot_dimension_numbers<[1], [0], [0], [1], [0, 0, 1, 1], [], []>, transpose_lhs_hint = false} : vector<1x16xf32>, vector<16x128xf32>, vector<1x128xf32> -> vector<1x128xf32>
      %get3A_137 = arith.constant 0 : index
      %get3A_138 = arith.constant 0 : index
      %get3A_139 = vector.load %arg10[%get3A_137, %get3A_138] : memref<16x128xf32, #tpu.memory_space<vmem>>, vector<16x128xf32>
      %dot_general3A_140 = arith.constant dense<0.000000e+00> : vector<1x128xf32>
      %dot_general3A_141 = tpu.matmul %mul3A_117, %get3A_139, %dot_general3A_140 {dimension_numbers = #tpu.dot_dimension_numbers<[1], [0], [0], [1], [0, 0, 1, 1], [], []>, transpose_lhs_hint = false} : vector<1x16xf32>, vector<16x128xf32>, vector<1x128xf32> -> vector<1x128xf32>
      %get3A_142 = arith.constant 0 : index
      %get3A_143 = arith.constant 0 : index
      %get3A_144 = vector.load %arg18[%get3A_142, %get3A_143] : memref<1x128xf32, #tpu.memory_space<vmem>>, vector<1x128xf32>
      %sub3A_145 = vector.broadcast %dot_general3A_136 : vector<1x128xf32> to vector<3200x128xf32>
      %sub3A_146 = arith.subf %add3A_131, %sub3A_145 : vector<3200x128xf32>
      %add3A_147 = arith.constant 9.99999993E-9 : f32
      %add3A_148 = vector.broadcast %add3A_147 : f32 to vector<1x128xf32>
      %add3A_149 = arith.addf %dot_general3A_141, %add3A_148 : vector<1x128xf32>
      %rsqrt3A_150 = math.rsqrt %add3A_149 : vector<1x128xf32>
      %mul3A_151 = vector.broadcast %rsqrt3A_150 : vector<1x128xf32> to vector<3200x128xf32>
      %mul3A_152 = arith.mulf %sub3A_146, %mul3A_151 : vector<3200x128xf32>
      %logistic3A = arith.negf %mul3A_152 : vector<3200x128xf32>
      %logistic3A_153 = math.exp %logistic3A : vector<3200x128xf32>
      %logistic3A_154 = arith.constant 1.000000e+00 : f32
      %logistic3A_155 = vector.broadcast %logistic3A_154 : f32 to vector<3200x128xf32>
      %logistic3A_156 = arith.addf %logistic3A_155, %logistic3A_153 : vector<3200x128xf32>
      %logistic3A_157 = arith.divf %logistic3A_155, %logistic3A_156 : vector<3200x128xf32>
      %sub3A_158 = arith.constant 1.000000e+00 : f32
      %sub3A_159 = vector.broadcast %sub3A_158 : f32 to vector<1x128xf32>
      %sub3A_160 = arith.subf %sub3A_159, %get3A_144 : vector<1x128xf32>
      %mul3A_161 = vector.broadcast %sub3A_160 : vector<1x128xf32> to vector<3200x128xf32>
      %mul3A_162 = arith.mulf %logistic3A_157, %mul3A_161 : vector<3200x128xf32>
      %add3A_163 = vector.broadcast %get3A_144 : vector<1x128xf32> to vector<3200x128xf32>
      %add3A_164 = arith.addf %mul3A_162, %add3A_163 : vector<3200x128xf32>
      %mul3A_165 = arith.mulf %add3A_131, %add3A_164 : vector<3200x128xf32>
      %convert_element_type3A_166 = arith.truncf %mul3A_165 : vector<3200x128xf32> to vector<3200x128xbf16>
      %get3A_167 = arith.constant 0 : index
      %get3A_168 = arith.constant 0 : index
      %get3A_169 = vector.load %arg19[%get3A_167, %get3A_168] : memref<128x128xf32, #tpu.memory_space<vmem>>, vector<128x128xf32>
      %convert_element_type3A_170 = arith.truncf %get3A_169 : vector<128x128xf32> to vector<128x128xbf16>
      %dot_general3A_171 = arith.constant dense<0.000000e+00> : vector<3200x128xf32>
      %dot_general3A_172 = tpu.matmul %convert_element_type3A_166, %convert_element_type3A_170, %dot_general3A_171 {dimension_numbers = #tpu.dot_dimension_numbers<[1], [0], [0], [1], [0, 0, 1, 1], [], []>, transpose_lhs_hint = false} : vector<3200x128xbf16>, vector<128x128xbf16>, vector<3200x128xf32> -> vector<3200x128xf32>
      %get3A_173 = arith.constant 0 : index
      %get3A_174 = arith.constant 0 : index
      %get3A_175 = vector.load %arg20[%get3A_173, %get3A_174] : memref<1x128xf32, #tpu.memory_space<vmem>>, vector<1x128xf32>
      %add3A_176 = vector.broadcast %get3A_175 : vector<1x128xf32> to vector<3200x128xf32>
      %add3A_177 = arith.addf %dot_general3A_172, %add3A_176 : vector<3200x128xf32>
      %get3A_178 = arith.constant 2 : index
      %get3A_179 = arith.constant 0 : index
      %get3A_180 = vector.load %arg39[%get3A_178, %get3A_179] : memref<8x16xf32, #tpu.memory_space<vmem>>, vector<1x16xf32>
      %reduce_sum3A = arith.constant dense<0.000000e+00> : vector<128xf32>
      %reduce_sum3A_181 = vector.multi_reduction <add>, %add3A_177, %reduce_sum3A [0] : vector<3200x128xf32> to vector<128xf32>
      %broadcast_in_dim3A = vector.shape_cast %reduce_sum3A_181 : vector<128xf32> to vector<1x128xf32>
      %get3A_182 = arith.constant 0 : index
      %get3A_183 = arith.constant 0 : index
      %get3A_184 = vector.load %arg11[%get3A_182, %get3A_183] : memref<128x16xf32, #tpu.memory_space<vmem>>, vector<128x16xf32>
      %dot_general3A_185 = arith.constant dense<0.000000e+00> : vector<1x16xf32>
      %dot_general3A_186 = tpu.matmul %broadcast_in_dim3A, %get3A_184, %dot_general3A_185 {dimension_numbers = #tpu.dot_dimension_numbers<[1], [0], [0], [1], [0, 0, 1, 1], [], []>, transpose_lhs_hint = false} : vector<1x128xf32>, vector<128x16xf32>, vector<1x16xf32> -> vector<1x16xf32>
      %add3A_187 = arith.addf %get3A_180, %dot_general3A_186 : vector<1x16xf32>
      %swap3A = arith.constant 2 : index
      %swap3A_188 = arith.constant 0 : index
      %swap3A_189 = vector.load %arg39[%swap3A, %swap3A_188] : memref<8x16xf32, #tpu.memory_space<vmem>>, vector<1x16xf32>
      tpu.vector_store %arg39[%swap3A, %swap3A_188], %add3A_187 {strides = array<i32>} : memref<8x16xf32, #tpu.memory_space<vmem>>, vector<1x16xf32>,
      %get3A_190 = arith.constant 3 : index
      %get3A_191 = arith.constant 0 : index
      %get3A_192 = vector.load %arg39[%get3A_190, %get3A_191] : memref<8x16xf32, #tpu.memory_space<vmem>>, vector<1x16xf32>
      %mul3A_193 = arith.mulf %add3A_177, %add3A_177 : vector<3200x128xf32>
      %reduce_sum3A_194 = arith.constant dense<0.000000e+00> : vector<128xf32>
      %reduce_sum3A_195 = vector.multi_reduction <add>, %mul3A_193, %reduce_sum3A_194 [0] : vector<3200x128xf32> to vector<128xf32>
      %broadcast_in_dim3A_196 = vector.shape_cast %reduce_sum3A_195 : vector<128xf32> to vector<1x128xf32>
      %get3A_197 = arith.constant 0 : index
      %get3A_198 = arith.constant 0 : index
      %get3A_199 = vector.load %arg11[%get3A_197, %get3A_198] : memref<128x16xf32, #tpu.memory_space<vmem>>, vector<128x16xf32>
      %dot_general3A_200 = arith.constant dense<0.000000e+00> : vector<1x16xf32>
      %dot_general3A_201 = tpu.matmul %broadcast_in_dim3A_196, %get3A_199, %dot_general3A_200 {dimension_numbers = #tpu.dot_dimension_numbers<[1], [0], [0], [1], [0, 0, 1, 1], [], []>, transpose_lhs_hint = false} : vector<1x128xf32>, vector<128x16xf32>, vector<1x16xf32> -> vector<1x16xf32>
      %add3A_202 = arith.addf %get3A_192, %dot_general3A_201 : vector<1x16xf32>
      %swap3A_203 = arith.constant 3 : index
      %swap3A_204 = arith.constant 0 : index
      %swap3A_205 = vector.load %arg39[%swap3A_203, %swap3A_204] : memref<8x16xf32, #tpu.memory_space<vmem>>, vector<1x16xf32>
      tpu.vector_store %arg39[%swap3A_203, %swap3A_204], %add3A_202 {strides = array<i32>} : memref<8x16xf32, #tpu.memory_space<vmem>>, vector<1x16xf32>,
    } else {
    }
    %eq3A_14 = arith.constant 2 : i32
    %eq3A_15 = arith.cmpi eq, %arg0, %eq3A_14 : i32
    %convert_element_type3A_16 = arith.extui %eq3A_15 : i1 to i32
    %cond3A_17 = arith.constant 0 : i32
    %cond3A_18 = arith.cmpi ne, %convert_element_type3A_16, %cond3A_17 : i32
    scf.if %cond3A_18 {
      %get3A = arith.constant 0 : index
      %get3A_42 = arith.constant 0 : index
      %get3A_43 = vector.load %arg2[%get3A, %get3A_42] : memref<3200x128xf32, #tpu.memory_space<vmem>>, vector<3200x128xf32>
      %mul3A = arith.constant 128 : i32
      %mul3A_44 = arith.muli %arg1, %mul3A : i32
      %get3A_45 = arith.index_cast %mul3A_44 : i32 to index
      %get3A_46 = arith.constant 0 : index
      %get3A_47 = vector.load %arg5[%get3A_45, %get3A_46] : memref<4096x16xf32, #tpu.memory_space<vmem>>, vector<128x16xf32>
      %get3A_48 = arith.constant 0 : index
      %get3A_49 = arith.constant 0 : index
      %get3A_50 = vector.load %arg8[%get3A_48, %get3A_49] : memref<3200x128xf32, #tpu.memory_space<vmem>>, vector<3200x128xf32>
      %convert_element_type3A_51 = arith.truncf %get3A_50 : vector<3200x128xf32> to vector<3200x128xbf16>
      %get3A_52 = arith.constant 0 : index
      %get3A_53 = arith.constant 0 : index
      %get3A_54 = vector.load %arg10[%get3A_52, %get3A_53] : memref<16x128xf32, #tpu.memory_space<vmem>>, vector<16x128xf32>
      %dot_general3A = arith.constant dense<0.000000e+00> : vector<128x128xf32>
      %dot_general3A_55 = tpu.matmul %get3A_47, %get3A_54, %dot_general3A {dimension_numbers = #tpu.dot_dimension_numbers<[1], [0], [0], [1], [0, 0, 1, 1], [], []>, transpose_lhs_hint = false} : vector<128x16xf32>, vector<16x128xf32>, vector<128x128xf32> -> vector<128x128xf32>
      %convert_element_type3A_56 = arith.truncf %dot_general3A_55 : vector<128x128xf32> to vector<128x128xbf16>
      %dot_general3A_57 = arith.constant dense<0.000000e+00> : vector<3200x128xf32>
      %dot_general3A_58 = tpu.matmul %convert_element_type3A_51, %convert_element_type3A_56, %dot_general3A_57 {dimension_numbers = #tpu.dot_dimension_numbers<[1], [0], [0], [1], [0, 0, 1, 1], [], []>, transpose_lhs_hint = false} : vector<3200x128xbf16>, vector<128x128xbf16>, vector<3200x128xf32> -> vector<3200x128xf32>
      %get3A_59 = arith.constant 0 : index
      %get3A_60 = arith.constant 0 : index
      %get3A_61 = vector.load %arg12[%get3A_59, %get3A_60] : memref<16x128xf32, #tpu.memory_space<vmem>>, vector<16x128xf32>
      %dot_general3A_62 = arith.constant dense<0.000000e+00> : vector<128x128xf32>
      %dot_general3A_63 = tpu.matmul %get3A_47, %get3A_61, %dot_general3A_62 {dimension_numbers = #tpu.dot_dimension_numbers<[1], [0], [0], [1], [0, 0, 1, 1], [], []>, transpose_lhs_hint = false} : vector<128x16xf32>, vector<16x128xf32>, vector<128x128xf32> -> vector<128x128xf32>
      %convert_element_type3A_64 = arith.truncf %dot_general3A_63 : vector<128x128xf32> to vector<128x128xbf16>
      %dot_general3A_65 = arith.constant dense<0.000000e+00> : vector<3200x128xf32>
      %dot_general3A_66 = tpu.matmul %convert_element_type3A_51, %convert_element_type3A_64, %dot_general3A_65 {dimension_numbers = #tpu.dot_dimension_numbers<[1], [0], [0], [1], [0, 0, 1, 1], [], []>, transpose_lhs_hint = false} : vector<3200x128xbf16>, vector<128x128xbf16>, vector<3200x128xf32> -> vector<3200x128xf32>
      %convert_element_type3A_67 = arith.truncf %get3A_43 : vector<3200x128xf32> to vector<3200x128xbf16>
      %get3A_68 = arith.constant 0 : index
      %get3A_69 = arith.constant 0 : index
      %get3A_70 = vector.load %arg13[%get3A_68, %get3A_69] : memref<128x128xf32, #tpu.memory_space<vmem>>, vector<128x128xf32>
      %convert_element_type3A_71 = arith.truncf %get3A_70 : vector<128x128xf32> to vector<128x128xbf16>
      %dot_general3A_72 = arith.constant dense<0.000000e+00> : vector<3200x128xf32>
      %dot_general3A_73 = tpu.matmul %convert_element_type3A_67, %convert_element_type3A_71, %dot_general3A_72 {dimension_numbers = #tpu.dot_dimension_numbers<[1], [0], [0], [1], [0, 0, 1, 1], [], []>, transpose_lhs_hint = false} : vector<3200x128xbf16>, vector<128x128xbf16>, vector<3200x128xf32> -> vector<3200x128xf32>
      %mul3A_74 = arith.mulf %dot_general3A_58, %get3A_43 : vector<3200x128xf32>
      %convert_element_type3A_75 = arith.truncf %mul3A_74 : vector<3200x128xf32> to vector<3200x128xbf16>
      %get3A_76 = arith.constant 0 : index
      %get3A_77 = arith.constant 0 : index
      %get3A_78 = vector.load %arg14[%get3A_76, %get3A_77] : memref<128x128xf32, #tpu.memory_space<vmem>>, vector<128x128xf32>
      %convert_element_type3A_79 = arith.truncf %get3A_78 : vector<128x128xf32> to vector<128x128xbf16>
      %dot_general3A_80 = arith.constant dense<0.000000e+00> : vector<3200x128xf32>
      %dot_general3A_81 = tpu.matmul %convert_element_type3A_75, %convert_element_type3A_79, %dot_general3A_80 {dimension_numbers = #tpu.dot_dimension_numbers<[1], [0], [0], [1], [0, 0, 1, 1], [], []>, transpose_lhs_hint = false} : vector<3200x128xbf16>, vector<128x128xbf16>, vector<3200x128xf32> -> vector<3200x128xf32>
      %add3A = arith.addf %dot_general3A_73, %dot_general3A_81 : vector<3200x128xf32>
      %add3A_82 = arith.addf %add3A, %dot_general3A_66 : vector<3200x128xf32>
      %get3A_83 = arith.constant 0 : index
      %get3A_84 = arith.constant 0 : index
      %get3A_85 = vector.load %arg15[%get3A_83, %get3A_84] : memref<1x128xf32, #tpu.memory_space<vmem>>, vector<1x128xf32>
      %add3A_86 = vector.broadcast %get3A_85 : vector<1x128xf32> to vector<3200x128xf32>
      %add3A_87 = arith.addf %add3A_82, %add3A_86 : vector<3200x128xf32>
      %get3A_88 = arith.constant 0 : index
      %get3A_89 = arith.constant 0 : index
      %get3A_90 = vector.load %arg39[%get3A_88, %get3A_89] : memref<8x16xf32, #tpu.memory_space<vmem>>, vector<1x16xf32>
      %get3A_91 = arith.constant 1 : index
      %get3A_92 = arith.constant 0 : index
      %get3A_93 = vector.load %arg39[%get3A_91, %get3A_92] : memref<8x16xf32, #tpu.memory_space<vmem>>, vector<1x16xf32>
      %get3A_94 = arith.constant 0 : index
      %get3A_95 = arith.constant 0 : index
      %get3A_96 = vector.load %arg16[%get3A_94, %get3A_95] : memref<1x16xf32, #tpu.memory_space<vmem>>, vector<1x16xf32>
      %get3A_97 = arith.constant 0 : index
      %get3A_98 = arith.constant 0 : index
      %get3A_99 = vector.load %arg17[%get3A_97, %get3A_98] : memref<1x16xf32, #tpu.memory_space<vmem>>, vector<1x16xf32>
      %div3A = arith.constant 8.192000e+05 : f32
      %div3A_100 = vector.broadcast %div3A : f32 to vector<1x16xf32>
      %div3A_101 = arith.divf %get3A_90, %div3A_100 : vector<1x16xf32>
      %div3A_102 = arith.constant 8.192000e+05 : f32
      %div3A_103 = vector.broadcast %div3A_102 : f32 to vector<1x16xf32>
      %div3A_104 = arith.divf %get3A_93, %div3A_103 : vector<1x16xf32>
      %mul3A_105 = arith.mulf %div3A_101, %div3A_101 : vector<1x16xf32>
      %sub3A = arith.subf %div3A_104, %mul3A_105 : vector<1x16xf32>
      %max3A = arith.constant 0.000000e+00 : f32
      %max3A_106 = vector.broadcast %max3A : f32 to vector<1x16xf32>
      %max3A_107 = arith.maximumf %sub3A, %max3A_106 : vector<1x16xf32>
      %add3A_108 = arith.constant 9.99999974E-6 : f32
      %add3A_109 = vector.broadcast %add3A_108 : f32 to vector<1x16xf32>
      %add3A_110 = arith.addf %max3A_107, %add3A_109 : vector<1x16xf32>
      %rsqrt3A = math.rsqrt %add3A_110 : vector<1x16xf32>
      %mul3A_111 = arith.mulf %get3A_96, %rsqrt3A : vector<1x16xf32>
      %mul3A_112 = arith.mulf %mul3A_111, %div3A_101 : vector<1x16xf32>
      %sub3A_113 = arith.subf %get3A_99, %mul3A_112 : vector<1x16xf32>
      %mul3A_114 = arith.mulf %mul3A_111, %div3A_101 : vector<1x16xf32>
      %add3A_115 = arith.addf %mul3A_114, %sub3A_113 : vector<1x16xf32>
      %mul3A_116 = arith.mulf %mul3A_111, %mul3A_111 : vector<1x16xf32>
      %mul3A_117 = arith.mulf %mul3A_116, %max3A_107 : vector<1x16xf32>
      %get3A_118 = arith.constant 0 : index
      %get3A_119 = arith.constant 0 : index
      %get3A_120 = vector.load %arg10[%get3A_118, %get3A_119] : memref<16x128xf32, #tpu.memory_space<vmem>>, vector<16x128xf32>
      %dot_general3A_121 = arith.constant dense<0.000000e+00> : vector<1x128xf32>
      %dot_general3A_122 = tpu.matmul %mul3A_111, %get3A_120, %dot_general3A_121 {dimension_numbers = #tpu.dot_dimension_numbers<[1], [0], [0], [1], [0, 0, 1, 1], [], []>, transpose_lhs_hint = false} : vector<1x16xf32>, vector<16x128xf32>, vector<1x128xf32> -> vector<1x128xf32>
      %mul3A_123 = vector.broadcast %dot_general3A_122 : vector<1x128xf32> to vector<3200x128xf32>
      %mul3A_124 = arith.mulf %add3A_87, %mul3A_123 : vector<3200x128xf32>
      %get3A_125 = arith.constant 0 : index
      %get3A_126 = arith.constant 0 : index
      %get3A_127 = vector.load %arg10[%get3A_125, %get3A_126] : memref<16x128xf32, #tpu.memory_space<vmem>>, vector<16x128xf32>
      %dot_general3A_128 = arith.constant dense<0.000000e+00> : vector<1x128xf32>
      %dot_general3A_129 = tpu.matmul %sub3A_113, %get3A_127, %dot_general3A_128 {dimension_numbers = #tpu.dot_dimension_numbers<[1], [0], [0], [1], [0, 0, 1, 1], [], []>, transpose_lhs_hint = false} : vector<1x16xf32>, vector<16x128xf32>, vector<1x128xf32> -> vector<1x128xf32>
      %add3A_130 = vector.broadcast %dot_general3A_129 : vector<1x128xf32> to vector<3200x128xf32>
      %add3A_131 = arith.addf %mul3A_124, %add3A_130 : vector<3200x128xf32>
      %get3A_132 = arith.constant 0 : index
      %get3A_133 = arith.constant 0 : index
      %get3A_134 = vector.load %arg10[%get3A_132, %get3A_133] : memref<16x128xf32, #tpu.memory_space<vmem>>, vector<16x128xf32>
      %dot_general3A_135 = arith.constant dense<0.000000e+00> : vector<1x128xf32>
      %dot_general3A_136 = tpu.matmul %add3A_115, %get3A_134, %dot_general3A_135 {dimension_numbers = #tpu.dot_dimension_numbers<[1], [0], [0], [1], [0, 0, 1, 1], [], []>, transpose_lhs_hint = false} : vector<1x16xf32>, vector<16x128xf32>, vector<1x128xf32> -> vector<1x128xf32>
      %get3A_137 = arith.constant 0 : index
      %get3A_138 = arith.constant 0 : index
      %get3A_139 = vector.load %arg10[%get3A_137, %get3A_138] : memref<16x128xf32, #tpu.memory_space<vmem>>, vector<16x128xf32>
      %dot_general3A_140 = arith.constant dense<0.000000e+00> : vector<1x128xf32>
      %dot_general3A_141 = tpu.matmul %mul3A_117, %get3A_139, %dot_general3A_140 {dimension_numbers = #tpu.dot_dimension_numbers<[1], [0], [0], [1], [0, 0, 1, 1], [], []>, transpose_lhs_hint = false} : vector<1x16xf32>, vector<16x128xf32>, vector<1x128xf32> -> vector<1x128xf32>
      %get3A_142 = arith.constant 0 : index
      %get3A_143 = arith.constant 0 : index
      %get3A_144 = vector.load %arg18[%get3A_142, %get3A_143] : memref<1x128xf32, #tpu.memory_space<vmem>>, vector<1x128xf32>
      %sub3A_145 = vector.broadcast %dot_general3A_136 : vector<1x128xf32> to vector<3200x128xf32>
      %sub3A_146 = arith.subf %add3A_131, %sub3A_145 : vector<3200x128xf32>
      %add3A_147 = arith.constant 9.99999993E-9 : f32
      %add3A_148 = vector.broadcast %add3A_147 : f32 to vector<1x128xf32>
      %add3A_149 = arith.addf %dot_general3A_141, %add3A_148 : vector<1x128xf32>
      %rsqrt3A_150 = math.rsqrt %add3A_149 : vector<1x128xf32>
      %mul3A_151 = vector.broadcast %rsqrt3A_150 : vector<1x128xf32> to vector<3200x128xf32>
      %mul3A_152 = arith.mulf %sub3A_146, %mul3A_151 : vector<3200x128xf32>
      %logistic3A = arith.negf %mul3A_152 : vector<3200x128xf32>
      %logistic3A_153 = math.exp %logistic3A : vector<3200x128xf32>
      %logistic3A_154 = arith.constant 1.000000e+00 : f32
      %logistic3A_155 = vector.broadcast %logistic3A_154 : f32 to vector<3200x128xf32>
      %logistic3A_156 = arith.addf %logistic3A_155, %logistic3A_153 : vector<3200x128xf32>
      %logistic3A_157 = arith.divf %logistic3A_155, %logistic3A_156 : vector<3200x128xf32>
      %sub3A_158 = arith.constant 1.000000e+00 : f32
      %sub3A_159 = vector.broadcast %sub3A_158 : f32 to vector<1x128xf32>
      %sub3A_160 = arith.subf %sub3A_159, %get3A_144 : vector<1x128xf32>
      %mul3A_161 = vector.broadcast %sub3A_160 : vector<1x128xf32> to vector<3200x128xf32>
      %mul3A_162 = arith.mulf %logistic3A_157, %mul3A_161 : vector<3200x128xf32>
      %add3A_163 = vector.broadcast %get3A_144 : vector<1x128xf32> to vector<3200x128xf32>
      %add3A_164 = arith.addf %mul3A_162, %add3A_163 : vector<3200x128xf32>
      %mul3A_165 = arith.mulf %add3A_131, %add3A_164 : vector<3200x128xf32>
      %convert_element_type3A_166 = arith.truncf %mul3A_165 : vector<3200x128xf32> to vector<3200x128xbf16>
      %get3A_167 = arith.constant 0 : index
      %get3A_168 = arith.constant 0 : index
      %get3A_169 = vector.load %arg19[%get3A_167, %get3A_168] : memref<128x128xf32, #tpu.memory_space<vmem>>, vector<128x128xf32>
      %convert_element_type3A_170 = arith.truncf %get3A_169 : vector<128x128xf32> to vector<128x128xbf16>
      %dot_general3A_171 = arith.constant dense<0.000000e+00> : vector<3200x128xf32>
      %dot_general3A_172 = tpu.matmul %convert_element_type3A_166, %convert_element_type3A_170, %dot_general3A_171 {dimension_numbers = #tpu.dot_dimension_numbers<[1], [0], [0], [1], [0, 0, 1, 1], [], []>, transpose_lhs_hint = false} : vector<3200x128xbf16>, vector<128x128xbf16>, vector<3200x128xf32> -> vector<3200x128xf32>
      %get3A_173 = arith.constant 0 : index
      %get3A_174 = arith.constant 0 : index
      %get3A_175 = vector.load %arg20[%get3A_173, %get3A_174] : memref<1x128xf32, #tpu.memory_space<vmem>>, vector<1x128xf32>
      %add3A_176 = vector.broadcast %get3A_175 : vector<1x128xf32> to vector<3200x128xf32>
      %add3A_177 = arith.addf %dot_general3A_172, %add3A_176 : vector<3200x128xf32>
      %get3A_178 = arith.constant 2 : index
      %get3A_179 = arith.constant 0 : index
      %get3A_180 = vector.load %arg39[%get3A_178, %get3A_179] : memref<8x16xf32, #tpu.memory_space<vmem>>, vector<1x16xf32>
      %get3A_181 = arith.constant 3 : index
      %get3A_182 = arith.constant 0 : index
      %get3A_183 = vector.load %arg39[%get3A_181, %get3A_182] : memref<8x16xf32, #tpu.memory_space<vmem>>, vector<1x16xf32>
      %get3A_184 = arith.constant 0 : index
      %get3A_185 = arith.constant 0 : index
      %get3A_186 = vector.load %arg21[%get3A_184, %get3A_185] : memref<1x16xf32, #tpu.memory_space<vmem>>, vector<1x16xf32>
      %get3A_187 = arith.constant 0 : index
      %get3A_188 = arith.constant 0 : index
      %get3A_189 = vector.load %arg22[%get3A_187, %get3A_188] : memref<1x16xf32, #tpu.memory_space<vmem>>, vector<1x16xf32>
      %div3A_190 = arith.constant 8.192000e+05 : f32
      %div3A_191 = vector.broadcast %div3A_190 : f32 to vector<1x16xf32>
      %div3A_192 = arith.divf %get3A_180, %div3A_191 : vector<1x16xf32>
      %div3A_193 = arith.constant 8.192000e+05 : f32
      %div3A_194 = vector.broadcast %div3A_193 : f32 to vector<1x16xf32>
      %div3A_195 = arith.divf %get3A_183, %div3A_194 : vector<1x16xf32>
      %mul3A_196 = arith.mulf %div3A_192, %div3A_192 : vector<1x16xf32>
      %sub3A_197 = arith.subf %div3A_195, %mul3A_196 : vector<1x16xf32>
      %max3A_198 = arith.constant 0.000000e+00 : f32
      %max3A_199 = vector.broadcast %max3A_198 : f32 to vector<1x16xf32>
      %max3A_200 = arith.maximumf %sub3A_197, %max3A_199 : vector<1x16xf32>
      %add3A_201 = arith.constant 9.99999974E-6 : f32
      %add3A_202 = vector.broadcast %add3A_201 : f32 to vector<1x16xf32>
      %add3A_203 = arith.addf %max3A_200, %add3A_202 : vector<1x16xf32>
      %rsqrt3A_204 = math.rsqrt %add3A_203 : vector<1x16xf32>
      %mul3A_205 = arith.mulf %get3A_186, %rsqrt3A_204 : vector<1x16xf32>
      %mul3A_206 = arith.mulf %mul3A_205, %div3A_192 : vector<1x16xf32>
      %sub3A_207 = arith.subf %get3A_189, %mul3A_206 : vector<1x16xf32>
      %mul3A_208 = arith.mulf %mul3A_205, %div3A_192 : vector<1x16xf32>
      %add3A_209 = arith.addf %mul3A_208, %sub3A_207 : vector<1x16xf32>
      %mul3A_210 = arith.mulf %mul3A_205, %mul3A_205 : vector<1x16xf32>
      %mul3A_211 = arith.mulf %mul3A_210, %max3A_200 : vector<1x16xf32>
      %get3A_212 = arith.constant 0 : index
      %get3A_213 = arith.constant 0 : index
      %get3A_214 = vector.load %arg10[%get3A_212, %get3A_213] : memref<16x128xf32, #tpu.memory_space<vmem>>, vector<16x128xf32>
      %dot_general3A_215 = arith.constant dense<0.000000e+00> : vector<1x128xf32>
      %dot_general3A_216 = tpu.matmul %mul3A_205, %get3A_214, %dot_general3A_215 {dimension_numbers = #tpu.dot_dimension_numbers<[1], [0], [0], [1], [0, 0, 1, 1], [], []>, transpose_lhs_hint = false} : vector<1x16xf32>, vector<16x128xf32>, vector<1x128xf32> -> vector<1x128xf32>
      %mul3A_217 = vector.broadcast %dot_general3A_216 : vector<1x128xf32> to vector<3200x128xf32>
      %mul3A_218 = arith.mulf %add3A_177, %mul3A_217 : vector<3200x128xf32>
      %get3A_219 = arith.constant 0 : index
      %get3A_220 = arith.constant 0 : index
      %get3A_221 = vector.load %arg10[%get3A_219, %get3A_220] : memref<16x128xf32, #tpu.memory_space<vmem>>, vector<16x128xf32>
      %dot_general3A_222 = arith.constant dense<0.000000e+00> : vector<1x128xf32>
      %dot_general3A_223 = tpu.matmul %sub3A_207, %get3A_221, %dot_general3A_222 {dimension_numbers = #tpu.dot_dimension_numbers<[1], [0], [0], [1], [0, 0, 1, 1], [], []>, transpose_lhs_hint = false} : vector<1x16xf32>, vector<16x128xf32>, vector<1x128xf32> -> vector<1x128xf32>
      %add3A_224 = vector.broadcast %dot_general3A_223 : vector<1x128xf32> to vector<3200x128xf32>
      %add3A_225 = arith.addf %mul3A_218, %add3A_224 : vector<3200x128xf32>
      %get3A_226 = arith.constant 0 : index
      %get3A_227 = arith.constant 0 : index
      %get3A_228 = vector.load %arg10[%get3A_226, %get3A_227] : memref<16x128xf32, #tpu.memory_space<vmem>>, vector<16x128xf32>
      %dot_general3A_229 = arith.constant dense<0.000000e+00> : vector<1x128xf32>
      %dot_general3A_230 = tpu.matmul %add3A_209, %get3A_228, %dot_general3A_229 {dimension_numbers = #tpu.dot_dimension_numbers<[1], [0], [0], [1], [0, 0, 1, 1], [], []>, transpose_lhs_hint = false} : vector<1x16xf32>, vector<16x128xf32>, vector<1x128xf32> -> vector<1x128xf32>
      %get3A_231 = arith.constant 0 : index
      %get3A_232 = arith.constant 0 : index
      %get3A_233 = vector.load %arg10[%get3A_231, %get3A_232] : memref<16x128xf32, #tpu.memory_space<vmem>>, vector<16x128xf32>
      %dot_general3A_234 = arith.constant dense<0.000000e+00> : vector<1x128xf32>
      %dot_general3A_235 = tpu.matmul %mul3A_211, %get3A_233, %dot_general3A_234 {dimension_numbers = #tpu.dot_dimension_numbers<[1], [0], [0], [1], [0, 0, 1, 1], [], []>, transpose_lhs_hint = false} : vector<1x16xf32>, vector<16x128xf32>, vector<1x128xf32> -> vector<1x128xf32>
      %get3A_236 = arith.constant 0 : index
      %get3A_237 = arith.constant 0 : index
      %get3A_238 = vector.load %arg23[%get3A_236, %get3A_237] : memref<1x128xf32, #tpu.memory_space<vmem>>, vector<1x128xf32>
      %sub3A_239 = vector.broadcast %dot_general3A_230 : vector<1x128xf32> to vector<3200x128xf32>
      %sub3A_240 = arith.subf %add3A_225, %sub3A_239 : vector<3200x128xf32>
      %add3A_241 = arith.constant 9.99999993E-9 : f32
      %add3A_242 = vector.broadcast %add3A_241 : f32 to vector<1x128xf32>
      %add3A_243 = arith.addf %dot_general3A_235, %add3A_242 : vector<1x128xf32>
      %rsqrt3A_244 = math.rsqrt %add3A_243 : vector<1x128xf32>
      %mul3A_245 = vector.broadcast %rsqrt3A_244 : vector<1x128xf32> to vector<3200x128xf32>
      %mul3A_246 = arith.mulf %sub3A_240, %mul3A_245 : vector<3200x128xf32>
      %logistic3A_247 = arith.negf %mul3A_246 : vector<3200x128xf32>
      %logistic3A_248 = math.exp %logistic3A_247 : vector<3200x128xf32>
      %logistic3A_249 = arith.constant 1.000000e+00 : f32
      %logistic3A_250 = vector.broadcast %logistic3A_249 : f32 to vector<3200x128xf32>
      %logistic3A_251 = arith.addf %logistic3A_250, %logistic3A_248 : vector<3200x128xf32>
      %logistic3A_252 = arith.divf %logistic3A_250, %logistic3A_251 : vector<3200x128xf32>
      %sub3A_253 = arith.constant 1.000000e+00 : f32
      %sub3A_254 = vector.broadcast %sub3A_253 : f32 to vector<1x128xf32>
      %sub3A_255 = arith.subf %sub3A_254, %get3A_238 : vector<1x128xf32>
      %mul3A_256 = vector.broadcast %sub3A_255 : vector<1x128xf32> to vector<3200x128xf32>
      %mul3A_257 = arith.mulf %logistic3A_252, %mul3A_256 : vector<3200x128xf32>
      %add3A_258 = vector.broadcast %get3A_238 : vector<1x128xf32> to vector<3200x128xf32>
      %add3A_259 = arith.addf %mul3A_257, %add3A_258 : vector<3200x128xf32>
      %mul3A_260 = arith.mulf %add3A_225, %add3A_259 : vector<3200x128xf32>
      %convert_element_type3A_261 = arith.truncf %mul3A_260 : vector<3200x128xf32> to vector<3200x128xbf16>
      %get3A_262 = arith.constant 0 : index
      %get3A_263 = arith.constant 0 : index
      %get3A_264 = vector.load %arg24[%get3A_262, %get3A_263] : memref<128x128xf32, #tpu.memory_space<vmem>>, vector<128x128xf32>
      %convert_element_type3A_265 = arith.truncf %get3A_264 : vector<128x128xf32> to vector<128x128xbf16>
      %dot_general3A_266 = arith.constant dense<0.000000e+00> : vector<3200x128xf32>
      %dot_general3A_267 = tpu.matmul %convert_element_type3A_261, %convert_element_type3A_265, %dot_general3A_266 {dimension_numbers = #tpu.dot_dimension_numbers<[1], [0], [0], [1], [0, 0, 1, 1], [], []>, transpose_lhs_hint = false} : vector<3200x128xbf16>, vector<128x128xbf16>, vector<3200x128xf32> -> vector<3200x128xf32>
      %get3A_268 = arith.constant 0 : index
      %get3A_269 = arith.constant 0 : index
      %get3A_270 = vector.load %arg25[%get3A_268, %get3A_269] : memref<1x1xf32, #tpu.memory_space<vmem>>, vector<1x1xf32>
      %add3A_271 = vector.broadcast %get3A_270 : vector<1x1xf32> to vector<3200x128xf32>
      %add3A_272 = arith.addf %dot_general3A_267, %add3A_271 : vector<3200x128xf32>
      %mul3A_273 = arith.constant 128 : i32
      %mul3A_274 = arith.muli %arg1, %mul3A_273 : i32
      %get3A_275 = arith.index_cast %mul3A_274 : i32 to index
      %get3A_276 = arith.constant 0 : index
      %get3A_277 = vector.load %arg7[%get3A_275, %get3A_276] : memref<4096x2xf32, #tpu.memory_space<vmem>>, vector<128x2xf32>
      %get3A_278 = arith.constant 0 : index
      %get3A_279 = arith.constant 0 : index
      %get3A_280 = vector.load %arg8[%get3A_278, %get3A_279] : memref<3200x128xf32, #tpu.memory_space<vmem>>, vector<3200x128xf32>
      %convert_element_type3A_281 = arith.truncf %get3A_280 : vector<3200x128xf32> to vector<3200x128xbf16>
      %convert_element_type3A_282 = arith.truncf %get3A_277 : vector<128x2xf32> to vector<128x2xbf16>
      %dot_general3A_283 = arith.constant dense<0.000000e+00> : vector<3200x2xf32>
      %dot_general3A_284 = tpu.matmul %convert_element_type3A_281, %convert_element_type3A_282, %dot_general3A_283 {dimension_numbers = #tpu.dot_dimension_numbers<[1], [0], [0], [1], [0, 0, 1, 1], [], []>, transpose_lhs_hint = false} : vector<3200x128xbf16>, vector<128x2xbf16>, vector<3200x2xf32> -> vector<3200x2xf32>
      %get3A_285 = arith.constant 0 : index
      %get3A_286 = arith.constant 0 : index
      %get3A_287 = vector.load %arg9[%get3A_285, %get3A_286] : memref<3200x128xf32, #tpu.memory_space<vmem>>, vector<3200x128xf32>
      %slice3A = vector.extract_strided_slice %dot_general3A_284 {offsets = [0, 0], sizes = [3200, 1], strides = [1, 1]} : vector<3200x2xf32> to vector<3200x1xf32>
      %lt3A = vector.broadcast %slice3A : vector<3200x1xf32> to vector<3200x128xf32>
      %lt3A_288 = arith.cmpf olt, %get3A_287, %lt3A : vector<3200x128xf32>
      %jit3A = arith.constant 0.000000e+00 : f32
      %broadcast_in_dim3A = vector.broadcast %jit3A : f32 to vector<3200x128xf32>
      %select_n3A = arith.select %lt3A_288, %add3A_272, %broadcast_in_dim3A : vector<3200x128xi1>, vector<3200x128xf32>
      %mul3A_289 = arith.mulf %get3A_43, %select_n3A : vector<3200x128xf32>
      %convert_element_type3A_290 = arith.truncf %mul3A_289 : vector<3200x128xf32> to vector<3200x128xbf16>
      %get3A_291 = arith.constant 0 : index
      %get3A_292 = arith.constant 0 : index
      %get3A_293 = vector.load %arg8[%get3A_291, %get3A_292] : memref<3200x128xf32, #tpu.memory_space<vmem>>, vector<3200x128xf32>
      %convert_element_type3A_294 = arith.truncf %get3A_293 : vector<3200x128xf32> to vector<3200x128xbf16>
      %dot_general3A_295 = arith.constant dense<0.000000e+00> : vector<128x128xf32>
      %dot_general3A_296 = tpu.matmul %convert_element_type3A_294, %convert_element_type3A_290, %dot_general3A_295 {dimension_numbers = #tpu.dot_dimension_numbers<[0], [0], [1], [1], [0, 1, 1, 1], [], []>, transpose_lhs_hint = false} : vector<3200x128xbf16>, vector<3200x128xbf16>, vector<128x128xf32> -> vector<128x128xf32>
      %get3A_297 = arith.constant 0 : index
      %get3A_298 = arith.constant 0 : index
      %get3A_299 = vector.load %arg11[%get3A_297, %get3A_298] : memref<128x16xf32, #tpu.memory_space<vmem>>, vector<128x16xf32>
      %dot_general3A_300 = arith.constant dense<0.000000e+00> : vector<128x16xf32>
      %dot_general3A_301 = tpu.matmul %dot_general3A_296, %get3A_299, %dot_general3A_300 {dimension_numbers = #tpu.dot_dimension_numbers<[1], [0], [0], [1], [0, 0, 1, 1], [], []>, transpose_lhs_hint = false} : vector<128x128xf32>, vector<128x16xf32>, vector<128x16xf32> -> vector<128x16xf32>
      %mul3A_302 = arith.constant 128 : i32
      %mul3A_303 = arith.muli %arg1, %mul3A_302 : i32
      %swap3A = arith.index_cast %mul3A_303 : i32 to index
      %swap3A_304 = arith.constant 0 : index
      %swap3A_305 = vector.load %arg40[%swap3A, %swap3A_304] : memref<4096x16xf32, #tpu.memory_space<vmem>>, vector<128x16xf32>
      tpu.vector_store %arg40[%swap3A, %swap3A_304], %dot_general3A_301 {strides = array<i32>} : memref<4096x16xf32, #tpu.memory_space<vmem>>, vector<128x16xf32>,
    } else {
    }
    %eq3A_19 = arith.constant 0 : i32
    %eq3A_20 = arith.cmpi eq, %arg0, %eq3A_19 : i32
    %convert_element_type3A_21 = arith.extui %eq3A_20 : i1 to i32
    %cond3A_22 = arith.constant 0 : i32
    %cond3A_23 = arith.cmpi ne, %convert_element_type3A_21, %cond3A_22 : i32
    scf.if %cond3A_23 {
      %get3A = arith.constant 0 : index
      %get3A_42 = arith.constant 0 : index
      %get3A_43 = vector.load %arg3[%get3A, %get3A_42] : memref<3200x128xf32, #tpu.memory_space<vmem>>, vector<3200x128xf32>
      %mul3A = arith.constant 128 : i32
      %mul3A_44 = arith.muli %arg1, %mul3A : i32
      %get3A_45 = arith.index_cast %mul3A_44 : i32 to index
      %get3A_46 = arith.constant 0 : index
      %get3A_47 = vector.load %arg6[%get3A_45, %get3A_46] : memref<4096x16xf32, #tpu.memory_space<vmem>>, vector<128x16xf32>
      %get3A_48 = arith.constant 0 : index
      %get3A_49 = arith.constant 0 : index
      %get3A_50 = vector.load %arg8[%get3A_48, %get3A_49] : memref<3200x128xf32, #tpu.memory_space<vmem>>, vector<3200x128xf32>
      %convert_element_type3A_51 = arith.truncf %get3A_50 : vector<3200x128xf32> to vector<3200x128xbf16>
      %get3A_52 = arith.constant 0 : index
      %get3A_53 = arith.constant 0 : index
      %get3A_54 = vector.load %arg10[%get3A_52, %get3A_53] : memref<16x128xf32, #tpu.memory_space<vmem>>, vector<16x128xf32>
      %dot_general3A = arith.constant dense<0.000000e+00> : vector<128x128xf32>
      %dot_general3A_55 = tpu.matmul %get3A_47, %get3A_54, %dot_general3A {dimension_numbers = #tpu.dot_dimension_numbers<[1], [0], [0], [1], [0, 0, 1, 1], [], []>, transpose_lhs_hint = false} : vector<128x16xf32>, vector<16x128xf32>, vector<128x128xf32> -> vector<128x128xf32>
      %convert_element_type3A_56 = arith.truncf %dot_general3A_55 : vector<128x128xf32> to vector<128x128xbf16>
      %dot_general3A_57 = arith.constant dense<0.000000e+00> : vector<3200x128xf32>
      %dot_general3A_58 = tpu.matmul %convert_element_type3A_51, %convert_element_type3A_56, %dot_general3A_57 {dimension_numbers = #tpu.dot_dimension_numbers<[1], [0], [0], [1], [0, 0, 1, 1], [], []>, transpose_lhs_hint = false} : vector<3200x128xbf16>, vector<128x128xbf16>, vector<3200x128xf32> -> vector<3200x128xf32>
      %get3A_59 = arith.constant 0 : index
      %get3A_60 = arith.constant 0 : index
      %get3A_61 = vector.load %arg12[%get3A_59, %get3A_60] : memref<16x128xf32, #tpu.memory_space<vmem>>, vector<16x128xf32>
      %dot_general3A_62 = arith.constant dense<0.000000e+00> : vector<128x128xf32>
      %dot_general3A_63 = tpu.matmul %get3A_47, %get3A_61, %dot_general3A_62 {dimension_numbers = #tpu.dot_dimension_numbers<[1], [0], [0], [1], [0, 0, 1, 1], [], []>, transpose_lhs_hint = false} : vector<128x16xf32>, vector<16x128xf32>, vector<128x128xf32> -> vector<128x128xf32>
      %convert_element_type3A_64 = arith.truncf %dot_general3A_63 : vector<128x128xf32> to vector<128x128xbf16>
      %dot_general3A_65 = arith.constant dense<0.000000e+00> : vector<3200x128xf32>
      %dot_general3A_66 = tpu.matmul %convert_element_type3A_51, %convert_element_type3A_64, %dot_general3A_65 {dimension_numbers = #tpu.dot_dimension_numbers<[1], [0], [0], [1], [0, 0, 1, 1], [], []>, transpose_lhs_hint = false} : vector<3200x128xbf16>, vector<128x128xbf16>, vector<3200x128xf32> -> vector<3200x128xf32>
      %convert_element_type3A_67 = arith.truncf %get3A_43 : vector<3200x128xf32> to vector<3200x128xbf16>
      %get3A_68 = arith.constant 0 : index
      %get3A_69 = arith.constant 0 : index
      %get3A_70 = vector.load %arg13[%get3A_68, %get3A_69] : memref<128x128xf32, #tpu.memory_space<vmem>>, vector<128x128xf32>
      %convert_element_type3A_71 = arith.truncf %get3A_70 : vector<128x128xf32> to vector<128x128xbf16>
      %dot_general3A_72 = arith.constant dense<0.000000e+00> : vector<3200x128xf32>
      %dot_general3A_73 = tpu.matmul %convert_element_type3A_67, %convert_element_type3A_71, %dot_general3A_72 {dimension_numbers = #tpu.dot_dimension_numbers<[1], [0], [0], [1], [0, 0, 1, 1], [], []>, transpose_lhs_hint = false} : vector<3200x128xbf16>, vector<128x128xbf16>, vector<3200x128xf32> -> vector<3200x128xf32>
      %mul3A_74 = arith.mulf %dot_general3A_58, %get3A_43 : vector<3200x128xf32>
      %convert_element_type3A_75 = arith.truncf %mul3A_74 : vector<3200x128xf32> to vector<3200x128xbf16>
      %get3A_76 = arith.constant 0 : index
      %get3A_77 = arith.constant 0 : index
      %get3A_78 = vector.load %arg14[%get3A_76, %get3A_77] : memref<128x128xf32, #tpu.memory_space<vmem>>, vector<128x128xf32>
      %convert_element_type3A_79 = arith.truncf %get3A_78 : vector<128x128xf32> to vector<128x128xbf16>
      %dot_general3A_80 = arith.constant dense<0.000000e+00> : vector<3200x128xf32>
      %dot_general3A_81 = tpu.matmul %convert_element_type3A_75, %convert_element_type3A_79, %dot_general3A_80 {dimension_numbers = #tpu.dot_dimension_numbers<[1], [0], [0], [1], [0, 0, 1, 1], [], []>, transpose_lhs_hint = false} : vector<3200x128xbf16>, vector<128x128xbf16>, vector<3200x128xf32> -> vector<3200x128xf32>
      %add3A = arith.addf %dot_general3A_73, %dot_general3A_81 : vector<3200x128xf32>
      %add3A_82 = arith.addf %add3A, %dot_general3A_66 : vector<3200x128xf32>
      %get3A_83 = arith.constant 0 : index
      %get3A_84 = arith.constant 0 : index
      %get3A_85 = vector.load %arg15[%get3A_83, %get3A_84] : memref<1x128xf32, #tpu.memory_space<vmem>>, vector<1x128xf32>
      %add3A_86 = vector.broadcast %get3A_85 : vector<1x128xf32> to vector<3200x128xf32>
      %add3A_87 = arith.addf %add3A_82, %add3A_86 : vector<3200x128xf32>
      %get3A_88 = arith.constant 4 : index
      %get3A_89 = arith.constant 0 : index
      %get3A_90 = vector.load %arg39[%get3A_88, %get3A_89] : memref<8x16xf32, #tpu.memory_space<vmem>>, vector<1x16xf32>
      %reduce_sum3A = arith.constant dense<0.000000e+00> : vector<128xf32>
      %reduce_sum3A_91 = vector.multi_reduction <add>, %add3A_87, %reduce_sum3A [0] : vector<3200x128xf32> to vector<128xf32>
      %broadcast_in_dim3A = vector.shape_cast %reduce_sum3A_91 : vector<128xf32> to vector<1x128xf32>
      %get3A_92 = arith.constant 0 : index
      %get3A_93 = arith.constant 0 : index
      %get3A_94 = vector.load %arg11[%get3A_92, %get3A_93] : memref<128x16xf32, #tpu.memory_space<vmem>>, vector<128x16xf32>
      %dot_general3A_95 = arith.constant dense<0.000000e+00> : vector<1x16xf32>
      %dot_general3A_96 = tpu.matmul %broadcast_in_dim3A, %get3A_94, %dot_general3A_95 {dimension_numbers = #tpu.dot_dimension_numbers<[1], [0], [0], [1], [0, 0, 1, 1], [], []>, transpose_lhs_hint = false} : vector<1x128xf32>, vector<128x16xf32>, vector<1x16xf32> -> vector<1x16xf32>
      %add3A_97 = arith.addf %get3A_90, %dot_general3A_96 : vector<1x16xf32>
      %swap3A = arith.constant 4 : index
      %swap3A_98 = arith.constant 0 : index
      %swap3A_99 = vector.load %arg39[%swap3A, %swap3A_98] : memref<8x16xf32, #tpu.memory_space<vmem>>, vector<1x16xf32>
      tpu.vector_store %arg39[%swap3A, %swap3A_98], %add3A_97 {strides = array<i32>} : memref<8x16xf32, #tpu.memory_space<vmem>>, vector<1x16xf32>,
      %get3A_100 = arith.constant 5 : index
      %get3A_101 = arith.constant 0 : index
      %get3A_102 = vector.load %arg39[%get3A_100, %get3A_101] : memref<8x16xf32, #tpu.memory_space<vmem>>, vector<1x16xf32>
      %mul3A_103 = arith.mulf %add3A_87, %add3A_87 : vector<3200x128xf32>
      %reduce_sum3A_104 = arith.constant dense<0.000000e+00> : vector<128xf32>
      %reduce_sum3A_105 = vector.multi_reduction <add>, %mul3A_103, %reduce_sum3A_104 [0] : vector<3200x128xf32> to vector<128xf32>
      %broadcast_in_dim3A_106 = vector.shape_cast %reduce_sum3A_105 : vector<128xf32> to vector<1x128xf32>
      %get3A_107 = arith.constant 0 : index
      %get3A_108 = arith.constant 0 : index
      %get3A_109 = vector.load %arg11[%get3A_107, %get3A_108] : memref<128x16xf32, #tpu.memory_space<vmem>>, vector<128x16xf32>
      %dot_general3A_110 = arith.constant dense<0.000000e+00> : vector<1x16xf32>
      %dot_general3A_111 = tpu.matmul %broadcast_in_dim3A_106, %get3A_109, %dot_general3A_110 {dimension_numbers = #tpu.dot_dimension_numbers<[1], [0], [0], [1], [0, 0, 1, 1], [], []>, transpose_lhs_hint = false} : vector<1x128xf32>, vector<128x16xf32>, vector<1x16xf32> -> vector<1x16xf32>
      %add3A_112 = arith.addf %get3A_102, %dot_general3A_111 : vector<1x16xf32>
      %swap3A_113 = arith.constant 5 : index
      %swap3A_114 = arith.constant 0 : index
      %swap3A_115 = vector.load %arg39[%swap3A_113, %swap3A_114] : memref<8x16xf32, #tpu.memory_space<vmem>>, vector<1x16xf32>
      tpu.vector_store %arg39[%swap3A_113, %swap3A_114], %add3A_112 {strides = array<i32>} : memref<8x16xf32, #tpu.memory_space<vmem>>, vector<1x16xf32>,
    } else {
    }
    %eq3A_24 = arith.constant 1 : i32
    %eq3A_25 = arith.cmpi eq, %arg0, %eq3A_24 : i32
    %convert_element_type3A_26 = arith.extui %eq3A_25 : i1 to i32
    %cond3A_27 = arith.constant 0 : i32
    %cond3A_28 = arith.cmpi ne, %convert_element_type3A_26, %cond3A_27 : i32
    scf.if %cond3A_28 {
      %get3A = arith.constant 0 : index
      %get3A_42 = arith.constant 0 : index
      %get3A_43 = vector.load %arg3[%get3A, %get3A_42] : memref<3200x128xf32, #tpu.memory_space<vmem>>, vector<3200x128xf32>
      %mul3A = arith.constant 128 : i32
      %mul3A_44 = arith.muli %arg1, %mul3A : i32
      %get3A_45 = arith.index_cast %mul3A_44 : i32 to index
      %get3A_46 = arith.constant 0 : index
      %get3A_47 = vector.load %arg6[%get3A_45, %get3A_46] : memref<4096x16xf32, #tpu.memory_space<vmem>>, vector<128x16xf32>
      %get3A_48 = arith.constant 0 : index
      %get3A_49 = arith.constant 0 : index
      %get3A_50 = vector.load %arg8[%get3A_48, %get3A_49] : memref<3200x128xf32, #tpu.memory_space<vmem>>, vector<3200x128xf32>
      %convert_element_type3A_51 = arith.truncf %get3A_50 : vector<3200x128xf32> to vector<3200x128xbf16>
      %get3A_52 = arith.constant 0 : index
      %get3A_53 = arith.constant 0 : index
      %get3A_54 = vector.load %arg10[%get3A_52, %get3A_53] : memref<16x128xf32, #tpu.memory_space<vmem>>, vector<16x128xf32>
      %dot_general3A = arith.constant dense<0.000000e+00> : vector<128x128xf32>
      %dot_general3A_55 = tpu.matmul %get3A_47, %get3A_54, %dot_general3A {dimension_numbers = #tpu.dot_dimension_numbers<[1], [0], [0], [1], [0, 0, 1, 1], [], []>, transpose_lhs_hint = false} : vector<128x16xf32>, vector<16x128xf32>, vector<128x128xf32> -> vector<128x128xf32>
      %convert_element_type3A_56 = arith.truncf %dot_general3A_55 : vector<128x128xf32> to vector<128x128xbf16>
      %dot_general3A_57 = arith.constant dense<0.000000e+00> : vector<3200x128xf32>
      %dot_general3A_58 = tpu.matmul %convert_element_type3A_51, %convert_element_type3A_56, %dot_general3A_57 {dimension_numbers = #tpu.dot_dimension_numbers<[1], [0], [0], [1], [0, 0, 1, 1], [], []>, transpose_lhs_hint = false} : vector<3200x128xbf16>, vector<128x128xbf16>, vector<3200x128xf32> -> vector<3200x128xf32>
      %get3A_59 = arith.constant 0 : index
      %get3A_60 = arith.constant 0 : index
      %get3A_61 = vector.load %arg12[%get3A_59, %get3A_60] : memref<16x128xf32, #tpu.memory_space<vmem>>, vector<16x128xf32>
      %dot_general3A_62 = arith.constant dense<0.000000e+00> : vector<128x128xf32>
      %dot_general3A_63 = tpu.matmul %get3A_47, %get3A_61, %dot_general3A_62 {dimension_numbers = #tpu.dot_dimension_numbers<[1], [0], [0], [1], [0, 0, 1, 1], [], []>, transpose_lhs_hint = false} : vector<128x16xf32>, vector<16x128xf32>, vector<128x128xf32> -> vector<128x128xf32>
      %convert_element_type3A_64 = arith.truncf %dot_general3A_63 : vector<128x128xf32> to vector<128x128xbf16>
      %dot_general3A_65 = arith.constant dense<0.000000e+00> : vector<3200x128xf32>
      %dot_general3A_66 = tpu.matmul %convert_element_type3A_51, %convert_element_type3A_64, %dot_general3A_65 {dimension_numbers = #tpu.dot_dimension_numbers<[1], [0], [0], [1], [0, 0, 1, 1], [], []>, transpose_lhs_hint = false} : vector<3200x128xbf16>, vector<128x128xbf16>, vector<3200x128xf32> -> vector<3200x128xf32>
      %convert_element_type3A_67 = arith.truncf %get3A_43 : vector<3200x128xf32> to vector<3200x128xbf16>
      %get3A_68 = arith.constant 0 : index
      %get3A_69 = arith.constant 0 : index
      %get3A_70 = vector.load %arg13[%get3A_68, %get3A_69] : memref<128x128xf32, #tpu.memory_space<vmem>>, vector<128x128xf32>
      %convert_element_type3A_71 = arith.truncf %get3A_70 : vector<128x128xf32> to vector<128x128xbf16>
      %dot_general3A_72 = arith.constant dense<0.000000e+00> : vector<3200x128xf32>
      %dot_general3A_73 = tpu.matmul %convert_element_type3A_67, %convert_element_type3A_71, %dot_general3A_72 {dimension_numbers = #tpu.dot_dimension_numbers<[1], [0], [0], [1], [0, 0, 1, 1], [], []>, transpose_lhs_hint = false} : vector<3200x128xbf16>, vector<128x128xbf16>, vector<3200x128xf32> -> vector<3200x128xf32>
      %mul3A_74 = arith.mulf %dot_general3A_58, %get3A_43 : vector<3200x128xf32>
      %convert_element_type3A_75 = arith.truncf %mul3A_74 : vector<3200x128xf32> to vector<3200x128xbf16>
      %get3A_76 = arith.constant 0 : index
      %get3A_77 = arith.constant 0 : index
      %get3A_78 = vector.load %arg14[%get3A_76, %get3A_77] : memref<128x128xf32, #tpu.memory_space<vmem>>, vector<128x128xf32>
      %convert_element_type3A_79 = arith.truncf %get3A_78 : vector<128x128xf32> to vector<128x128xbf16>
      %dot_general3A_80 = arith.constant dense<0.000000e+00> : vector<3200x128xf32>
      %dot_general3A_81 = tpu.matmul %convert_element_type3A_75, %convert_element_type3A_79, %dot_general3A_80 {dimension_numbers = #tpu.dot_dimension_numbers<[1], [0], [0], [1], [0, 0, 1, 1], [], []>, transpose_lhs_hint = false} : vector<3200x128xbf16>, vector<128x128xbf16>, vector<3200x128xf32> -> vector<3200x128xf32>
      %add3A = arith.addf %dot_general3A_73, %dot_general3A_81 : vector<3200x128xf32>
      %add3A_82 = arith.addf %add3A, %dot_general3A_66 : vector<3200x128xf32>
      %get3A_83 = arith.constant 0 : index
      %get3A_84 = arith.constant 0 : index
      %get3A_85 = vector.load %arg15[%get3A_83, %get3A_84] : memref<1x128xf32, #tpu.memory_space<vmem>>, vector<1x128xf32>
      %add3A_86 = vector.broadcast %get3A_85 : vector<1x128xf32> to vector<3200x128xf32>
      %add3A_87 = arith.addf %add3A_82, %add3A_86 : vector<3200x128xf32>
      %get3A_88 = arith.constant 4 : index
      %get3A_89 = arith.constant 0 : index
      %get3A_90 = vector.load %arg39[%get3A_88, %get3A_89] : memref<8x16xf32, #tpu.memory_space<vmem>>, vector<1x16xf32>
      %get3A_91 = arith.constant 5 : index
      %get3A_92 = arith.constant 0 : index
      %get3A_93 = vector.load %arg39[%get3A_91, %get3A_92] : memref<8x16xf32, #tpu.memory_space<vmem>>, vector<1x16xf32>
      %get3A_94 = arith.constant 0 : index
      %get3A_95 = arith.constant 0 : index
      %get3A_96 = vector.load %arg16[%get3A_94, %get3A_95] : memref<1x16xf32, #tpu.memory_space<vmem>>, vector<1x16xf32>
      %get3A_97 = arith.constant 0 : index
      %get3A_98 = arith.constant 0 : index
      %get3A_99 = vector.load %arg17[%get3A_97, %get3A_98] : memref<1x16xf32, #tpu.memory_space<vmem>>, vector<1x16xf32>
      %div3A = arith.constant 8.192000e+05 : f32
      %div3A_100 = vector.broadcast %div3A : f32 to vector<1x16xf32>
      %div3A_101 = arith.divf %get3A_90, %div3A_100 : vector<1x16xf32>
      %div3A_102 = arith.constant 8.192000e+05 : f32
      %div3A_103 = vector.broadcast %div3A_102 : f32 to vector<1x16xf32>
      %div3A_104 = arith.divf %get3A_93, %div3A_103 : vector<1x16xf32>
      %mul3A_105 = arith.mulf %div3A_101, %div3A_101 : vector<1x16xf32>
      %sub3A = arith.subf %div3A_104, %mul3A_105 : vector<1x16xf32>
      %max3A = arith.constant 0.000000e+00 : f32
      %max3A_106 = vector.broadcast %max3A : f32 to vector<1x16xf32>
      %max3A_107 = arith.maximumf %sub3A, %max3A_106 : vector<1x16xf32>
      %add3A_108 = arith.constant 9.99999974E-6 : f32
      %add3A_109 = vector.broadcast %add3A_108 : f32 to vector<1x16xf32>
      %add3A_110 = arith.addf %max3A_107, %add3A_109 : vector<1x16xf32>
      %rsqrt3A = math.rsqrt %add3A_110 : vector<1x16xf32>
      %mul3A_111 = arith.mulf %get3A_96, %rsqrt3A : vector<1x16xf32>
      %mul3A_112 = arith.mulf %mul3A_111, %div3A_101 : vector<1x16xf32>
      %sub3A_113 = arith.subf %get3A_99, %mul3A_112 : vector<1x16xf32>
      %mul3A_114 = arith.mulf %mul3A_111, %div3A_101 : vector<1x16xf32>
      %add3A_115 = arith.addf %mul3A_114, %sub3A_113 : vector<1x16xf32>
      %mul3A_116 = arith.mulf %mul3A_111, %mul3A_111 : vector<1x16xf32>
      %mul3A_117 = arith.mulf %mul3A_116, %max3A_107 : vector<1x16xf32>
      %get3A_118 = arith.constant 0 : index
      %get3A_119 = arith.constant 0 : index
      %get3A_120 = vector.load %arg10[%get3A_118, %get3A_119] : memref<16x128xf32, #tpu.memory_space<vmem>>, vector<16x128xf32>
      %dot_general3A_121 = arith.constant dense<0.000000e+00> : vector<1x128xf32>
      %dot_general3A_122 = tpu.matmul %mul3A_111, %get3A_120, %dot_general3A_121 {dimension_numbers = #tpu.dot_dimension_numbers<[1], [0], [0], [1], [0, 0, 1, 1], [], []>, transpose_lhs_hint = false} : vector<1x16xf32>, vector<16x128xf32>, vector<1x128xf32> -> vector<1x128xf32>
      %mul3A_123 = vector.broadcast %dot_general3A_122 : vector<1x128xf32> to vector<3200x128xf32>
      %mul3A_124 = arith.mulf %add3A_87, %mul3A_123 : vector<3200x128xf32>
      %get3A_125 = arith.constant 0 : index
      %get3A_126 = arith.constant 0 : index
      %get3A_127 = vector.load %arg10[%get3A_125, %get3A_126] : memref<16x128xf32, #tpu.memory_space<vmem>>, vector<16x128xf32>
      %dot_general3A_128 = arith.constant dense<0.000000e+00> : vector<1x128xf32>
      %dot_general3A_129 = tpu.matmul %sub3A_113, %get3A_127, %dot_general3A_128 {dimension_numbers = #tpu.dot_dimension_numbers<[1], [0], [0], [1], [0, 0, 1, 1], [], []>, transpose_lhs_hint = false} : vector<1x16xf32>, vector<16x128xf32>, vector<1x128xf32> -> vector<1x128xf32>
      %add3A_130 = vector.broadcast %dot_general3A_129 : vector<1x128xf32> to vector<3200x128xf32>
      %add3A_131 = arith.addf %mul3A_124, %add3A_130 : vector<3200x128xf32>
      %get3A_132 = arith.constant 0 : index
      %get3A_133 = arith.constant 0 : index
      %get3A_134 = vector.load %arg10[%get3A_132, %get3A_133] : memref<16x128xf32, #tpu.memory_space<vmem>>, vector<16x128xf32>
      %dot_general3A_135 = arith.constant dense<0.000000e+00> : vector<1x128xf32>
      %dot_general3A_136 = tpu.matmul %add3A_115, %get3A_134, %dot_general3A_135 {dimension_numbers = #tpu.dot_dimension_numbers<[1], [0], [0], [1], [0, 0, 1, 1], [], []>, transpose_lhs_hint = false} : vector<1x16xf32>, vector<16x128xf32>, vector<1x128xf32> -> vector<1x128xf32>
      %get3A_137 = arith.constant 0 : index
      %get3A_138 = arith.constant 0 : index
      %get3A_139 = vector.load %arg10[%get3A_137, %get3A_138] : memref<16x128xf32, #tpu.memory_space<vmem>>, vector<16x128xf32>
      %dot_general3A_140 = arith.constant dense<0.000000e+00> : vector<1x128xf32>
      %dot_general3A_141 = tpu.matmul %mul3A_117, %get3A_139, %dot_general3A_140 {dimension_numbers = #tpu.dot_dimension_numbers<[1], [0], [0], [1], [0, 0, 1, 1], [], []>, transpose_lhs_hint = false} : vector<1x16xf32>, vector<16x128xf32>, vector<1x128xf32> -> vector<1x128xf32>
      %get3A_142 = arith.constant 0 : index
      %get3A_143 = arith.constant 0 : index
      %get3A_144 = vector.load %arg18[%get3A_142, %get3A_143] : memref<1x128xf32, #tpu.memory_space<vmem>>, vector<1x128xf32>
      %sub3A_145 = vector.broadcast %dot_general3A_136 : vector<1x128xf32> to vector<3200x128xf32>
      %sub3A_146 = arith.subf %add3A_131, %sub3A_145 : vector<3200x128xf32>
      %add3A_147 = arith.constant 9.99999993E-9 : f32
      %add3A_148 = vector.broadcast %add3A_147 : f32 to vector<1x128xf32>
      %add3A_149 = arith.addf %dot_general3A_141, %add3A_148 : vector<1x128xf32>
      %rsqrt3A_150 = math.rsqrt %add3A_149 : vector<1x128xf32>
      %mul3A_151 = vector.broadcast %rsqrt3A_150 : vector<1x128xf32> to vector<3200x128xf32>
      %mul3A_152 = arith.mulf %sub3A_146, %mul3A_151 : vector<3200x128xf32>
      %logistic3A = arith.negf %mul3A_152 : vector<3200x128xf32>
      %logistic3A_153 = math.exp %logistic3A : vector<3200x128xf32>
      %logistic3A_154 = arith.constant 1.000000e+00 : f32
      %logistic3A_155 = vector.broadcast %logistic3A_154 : f32 to vector<3200x128xf32>
      %logistic3A_156 = arith.addf %logistic3A_155, %logistic3A_153 : vector<3200x128xf32>
      %logistic3A_157 = arith.divf %logistic3A_155, %logistic3A_156 : vector<3200x128xf32>
      %sub3A_158 = arith.constant 1.000000e+00 : f32
      %sub3A_159 = vector.broadcast %sub3A_158 : f32 to vector<1x128xf32>
      %sub3A_160 = arith.subf %sub3A_159, %get3A_144 : vector<1x128xf32>
      %mul3A_161 = vector.broadcast %sub3A_160 : vector<1x128xf32> to vector<3200x128xf32>
      %mul3A_162 = arith.mulf %logistic3A_157, %mul3A_161 : vector<3200x128xf32>
      %add3A_163 = vector.broadcast %get3A_144 : vector<1x128xf32> to vector<3200x128xf32>
      %add3A_164 = arith.addf %mul3A_162, %add3A_163 : vector<3200x128xf32>
      %mul3A_165 = arith.mulf %add3A_131, %add3A_164 : vector<3200x128xf32>
      %convert_element_type3A_166 = arith.truncf %mul3A_165 : vector<3200x128xf32> to vector<3200x128xbf16>
      %get3A_167 = arith.constant 0 : index
      %get3A_168 = arith.constant 0 : index
      %get3A_169 = vector.load %arg19[%get3A_167, %get3A_168] : memref<128x128xf32, #tpu.memory_space<vmem>>, vector<128x128xf32>
      %convert_element_type3A_170 = arith.truncf %get3A_169 : vector<128x128xf32> to vector<128x128xbf16>
      %dot_general3A_171 = arith.constant dense<0.000000e+00> : vector<3200x128xf32>
      %dot_general3A_172 = tpu.matmul %convert_element_type3A_166, %convert_element_type3A_170, %dot_general3A_171 {dimension_numbers = #tpu.dot_dimension_numbers<[1], [0], [0], [1], [0, 0, 1, 1], [], []>, transpose_lhs_hint = false} : vector<3200x128xbf16>, vector<128x128xbf16>, vector<3200x128xf32> -> vector<3200x128xf32>
      %get3A_173 = arith.constant 0 : index
      %get3A_174 = arith.constant 0 : index
      %get3A_175 = vector.load %arg20[%get3A_173, %get3A_174] : memref<1x128xf32, #tpu.memory_space<vmem>>, vector<1x128xf32>
      %add3A_176 = vector.broadcast %get3A_175 : vector<1x128xf32> to vector<3200x128xf32>
      %add3A_177 = arith.addf %dot_general3A_172, %add3A_176 : vector<3200x128xf32>
      %get3A_178 = arith.constant 6 : index
      %get3A_179 = arith.constant 0 : index
      %get3A_180 = vector.load %arg39[%get3A_178, %get3A_179] : memref<8x16xf32, #tpu.memory_space<vmem>>, vector<1x16xf32>
      %reduce_sum3A = arith.constant dense<0.000000e+00> : vector<128xf32>
      %reduce_sum3A_181 = vector.multi_reduction <add>, %add3A_177, %reduce_sum3A [0] : vector<3200x128xf32> to vector<128xf32>
      %broadcast_in_dim3A = vector.shape_cast %reduce_sum3A_181 : vector<128xf32> to vector<1x128xf32>
      %get3A_182 = arith.constant 0 : index
      %get3A_183 = arith.constant 0 : index
      %get3A_184 = vector.load %arg11[%get3A_182, %get3A_183] : memref<128x16xf32, #tpu.memory_space<vmem>>, vector<128x16xf32>
      %dot_general3A_185 = arith.constant dense<0.000000e+00> : vector<1x16xf32>
      %dot_general3A_186 = tpu.matmul %broadcast_in_dim3A, %get3A_184, %dot_general3A_185 {dimension_numbers = #tpu.dot_dimension_numbers<[1], [0], [0], [1], [0, 0, 1, 1], [], []>, transpose_lhs_hint = false} : vector<1x128xf32>, vector<128x16xf32>, vector<1x16xf32> -> vector<1x16xf32>
      %add3A_187 = arith.addf %get3A_180, %dot_general3A_186 : vector<1x16xf32>
      %swap3A = arith.constant 6 : index
      %swap3A_188 = arith.constant 0 : index
      %swap3A_189 = vector.load %arg39[%swap3A, %swap3A_188] : memref<8x16xf32, #tpu.memory_space<vmem>>, vector<1x16xf32>
      tpu.vector_store %arg39[%swap3A, %swap3A_188], %add3A_187 {strides = array<i32>} : memref<8x16xf32, #tpu.memory_space<vmem>>, vector<1x16xf32>,
      %get3A_190 = arith.constant 7 : index
      %get3A_191 = arith.constant 0 : index
      %get3A_192 = vector.load %arg39[%get3A_190, %get3A_191] : memref<8x16xf32, #tpu.memory_space<vmem>>, vector<1x16xf32>
      %mul3A_193 = arith.mulf %add3A_177, %add3A_177 : vector<3200x128xf32>
      %reduce_sum3A_194 = arith.constant dense<0.000000e+00> : vector<128xf32>
      %reduce_sum3A_195 = vector.multi_reduction <add>, %mul3A_193, %reduce_sum3A_194 [0] : vector<3200x128xf32> to vector<128xf32>
      %broadcast_in_dim3A_196 = vector.shape_cast %reduce_sum3A_195 : vector<128xf32> to vector<1x128xf32>
      %get3A_197 = arith.constant 0 : index
      %get3A_198 = arith.constant 0 : index
      %get3A_199 = vector.load %arg11[%get3A_197, %get3A_198] : memref<128x16xf32, #tpu.memory_space<vmem>>, vector<128x16xf32>
      %dot_general3A_200 = arith.constant dense<0.000000e+00> : vector<1x16xf32>
      %dot_general3A_201 = tpu.matmul %broadcast_in_dim3A_196, %get3A_199, %dot_general3A_200 {dimension_numbers = #tpu.dot_dimension_numbers<[1], [0], [0], [1], [0, 0, 1, 1], [], []>, transpose_lhs_hint = false} : vector<1x128xf32>, vector<128x16xf32>, vector<1x16xf32> -> vector<1x16xf32>
      %add3A_202 = arith.addf %get3A_192, %dot_general3A_201 : vector<1x16xf32>
      %swap3A_203 = arith.constant 7 : index
      %swap3A_204 = arith.constant 0 : index
      %swap3A_205 = vector.load %arg39[%swap3A_203, %swap3A_204] : memref<8x16xf32, #tpu.memory_space<vmem>>, vector<1x16xf32>
      tpu.vector_store %arg39[%swap3A_203, %swap3A_204], %add3A_202 {strides = array<i32>} : memref<8x16xf32, #tpu.memory_space<vmem>>, vector<1x16xf32>,
    } else {
    }
    %eq3A_29 = arith.constant 2 : i32
    %eq3A_30 = arith.cmpi eq, %arg0, %eq3A_29 : i32
    %convert_element_type3A_31 = arith.extui %eq3A_30 : i1 to i32
    %cond3A_32 = arith.constant 0 : i32
    %cond3A_33 = arith.cmpi ne, %convert_element_type3A_31, %cond3A_32 : i32
    scf.if %cond3A_33 {
      %get3A = arith.constant 0 : index
      %get3A_42 = arith.constant 0 : index
      %get3A_43 = vector.load %arg3[%get3A, %get3A_42] : memref<3200x128xf32, #tpu.memory_space<vmem>>, vector<3200x128xf32>
      %mul3A = arith.constant 128 : i32
      %mul3A_44 = arith.muli %arg1, %mul3A : i32
      %get3A_45 = arith.index_cast %mul3A_44 : i32 to index
      %get3A_46 = arith.constant 0 : index
      %get3A_47 = vector.load %arg6[%get3A_45, %get3A_46] : memref<4096x16xf32, #tpu.memory_space<vmem>>, vector<128x16xf32>
      %get3A_48 = arith.constant 0 : index
      %get3A_49 = arith.constant 0 : index
      %get3A_50 = vector.load %arg8[%get3A_48, %get3A_49] : memref<3200x128xf32, #tpu.memory_space<vmem>>, vector<3200x128xf32>
      %convert_element_type3A_51 = arith.truncf %get3A_50 : vector<3200x128xf32> to vector<3200x128xbf16>
      %get3A_52 = arith.constant 0 : index
      %get3A_53 = arith.constant 0 : index
      %get3A_54 = vector.load %arg10[%get3A_52, %get3A_53] : memref<16x128xf32, #tpu.memory_space<vmem>>, vector<16x128xf32>
      %dot_general3A = arith.constant dense<0.000000e+00> : vector<128x128xf32>
      %dot_general3A_55 = tpu.matmul %get3A_47, %get3A_54, %dot_general3A {dimension_numbers = #tpu.dot_dimension_numbers<[1], [0], [0], [1], [0, 0, 1, 1], [], []>, transpose_lhs_hint = false} : vector<128x16xf32>, vector<16x128xf32>, vector<128x128xf32> -> vector<128x128xf32>
      %convert_element_type3A_56 = arith.truncf %dot_general3A_55 : vector<128x128xf32> to vector<128x128xbf16>
      %dot_general3A_57 = arith.constant dense<0.000000e+00> : vector<3200x128xf32>
      %dot_general3A_58 = tpu.matmul %convert_element_type3A_51, %convert_element_type3A_56, %dot_general3A_57 {dimension_numbers = #tpu.dot_dimension_numbers<[1], [0], [0], [1], [0, 0, 1, 1], [], []>, transpose_lhs_hint = false} : vector<3200x128xbf16>, vector<128x128xbf16>, vector<3200x128xf32> -> vector<3200x128xf32>
      %get3A_59 = arith.constant 0 : index
      %get3A_60 = arith.constant 0 : index
      %get3A_61 = vector.load %arg12[%get3A_59, %get3A_60] : memref<16x128xf32, #tpu.memory_space<vmem>>, vector<16x128xf32>
      %dot_general3A_62 = arith.constant dense<0.000000e+00> : vector<128x128xf32>
      %dot_general3A_63 = tpu.matmul %get3A_47, %get3A_61, %dot_general3A_62 {dimension_numbers = #tpu.dot_dimension_numbers<[1], [0], [0], [1], [0, 0, 1, 1], [], []>, transpose_lhs_hint = false} : vector<128x16xf32>, vector<16x128xf32>, vector<128x128xf32> -> vector<128x128xf32>
      %convert_element_type3A_64 = arith.truncf %dot_general3A_63 : vector<128x128xf32> to vector<128x128xbf16>
      %dot_general3A_65 = arith.constant dense<0.000000e+00> : vector<3200x128xf32>
      %dot_general3A_66 = tpu.matmul %convert_element_type3A_51, %convert_element_type3A_64, %dot_general3A_65 {dimension_numbers = #tpu.dot_dimension_numbers<[1], [0], [0], [1], [0, 0, 1, 1], [], []>, transpose_lhs_hint = false} : vector<3200x128xbf16>, vector<128x128xbf16>, vector<3200x128xf32> -> vector<3200x128xf32>
      %convert_element_type3A_67 = arith.truncf %get3A_43 : vector<3200x128xf32> to vector<3200x128xbf16>
      %get3A_68 = arith.constant 0 : index
      %get3A_69 = arith.constant 0 : index
      %get3A_70 = vector.load %arg13[%get3A_68, %get3A_69] : memref<128x128xf32, #tpu.memory_space<vmem>>, vector<128x128xf32>
      %convert_element_type3A_71 = arith.truncf %get3A_70 : vector<128x128xf32> to vector<128x128xbf16>
      %dot_general3A_72 = arith.constant dense<0.000000e+00> : vector<3200x128xf32>
      %dot_general3A_73 = tpu.matmul %convert_element_type3A_67, %convert_element_type3A_71, %dot_general3A_72 {dimension_numbers = #tpu.dot_dimension_numbers<[1], [0], [0], [1], [0, 0, 1, 1], [], []>, transpose_lhs_hint = false} : vector<3200x128xbf16>, vector<128x128xbf16>, vector<3200x128xf32> -> vector<3200x128xf32>
      %mul3A_74 = arith.mulf %dot_general3A_58, %get3A_43 : vector<3200x128xf32>
      %convert_element_type3A_75 = arith.truncf %mul3A_74 : vector<3200x128xf32> to vector<3200x128xbf16>
      %get3A_76 = arith.constant 0 : index
      %get3A_77 = arith.constant 0 : index
      %get3A_78 = vector.load %arg14[%get3A_76, %get3A_77] : memref<128x128xf32, #tpu.memory_space<vmem>>, vector<128x128xf32>
      %convert_element_type3A_79 = arith.truncf %get3A_78 : vector<128x128xf32> to vector<128x128xbf16>
      %dot_general3A_80 = arith.constant dense<0.000000e+00> : vector<3200x128xf32>
      %dot_general3A_81 = tpu.matmul %convert_element_type3A_75, %convert_element_type3A_79, %dot_general3A_80 {dimension_numbers = #tpu.dot_dimension_numbers<[1], [0], [0], [1], [0, 0, 1, 1], [], []>, transpose_lhs_hint = false} : vector<3200x128xbf16>, vector<128x128xbf16>, vector<3200x128xf32> -> vector<3200x128xf32>
      %add3A = arith.addf %dot_general3A_73, %dot_general3A_81 : vector<3200x128xf32>
      %add3A_82 = arith.addf %add3A, %dot_general3A_66 : vector<3200x128xf32>
      %get3A_83 = arith.constant 0 : index
      %get3A_84 = arith.constant 0 : index
      %get3A_85 = vector.load %arg15[%get3A_83, %get3A_84] : memref<1x128xf32, #tpu.memory_space<vmem>>, vector<1x128xf32>
      %add3A_86 = vector.broadcast %get3A_85 : vector<1x128xf32> to vector<3200x128xf32>
      %add3A_87 = arith.addf %add3A_82, %add3A_86 : vector<3200x128xf32>
      %get3A_88 = arith.constant 4 : index
      %get3A_89 = arith.constant 0 : index
      %get3A_90 = vector.load %arg39[%get3A_88, %get3A_89] : memref<8x16xf32, #tpu.memory_space<vmem>>, vector<1x16xf32>
      %get3A_91 = arith.constant 5 : index
      %get3A_92 = arith.constant 0 : index
      %get3A_93 = vector.load %arg39[%get3A_91, %get3A_92] : memref<8x16xf32, #tpu.memory_space<vmem>>, vector<1x16xf32>
      %get3A_94 = arith.constant 0 : index
      %get3A_95 = arith.constant 0 : index
      %get3A_96 = vector.load %arg16[%get3A_94, %get3A_95] : memref<1x16xf32, #tpu.memory_space<vmem>>, vector<1x16xf32>
      %get3A_97 = arith.constant 0 : index
      %get3A_98 = arith.constant 0 : index
      %get3A_99 = vector.load %arg17[%get3A_97, %get3A_98] : memref<1x16xf32, #tpu.memory_space<vmem>>, vector<1x16xf32>
      %div3A = arith.constant 8.192000e+05 : f32
      %div3A_100 = vector.broadcast %div3A : f32 to vector<1x16xf32>
      %div3A_101 = arith.divf %get3A_90, %div3A_100 : vector<1x16xf32>
      %div3A_102 = arith.constant 8.192000e+05 : f32
      %div3A_103 = vector.broadcast %div3A_102 : f32 to vector<1x16xf32>
      %div3A_104 = arith.divf %get3A_93, %div3A_103 : vector<1x16xf32>
      %mul3A_105 = arith.mulf %div3A_101, %div3A_101 : vector<1x16xf32>
      %sub3A = arith.subf %div3A_104, %mul3A_105 : vector<1x16xf32>
      %max3A = arith.constant 0.000000e+00 : f32
      %max3A_106 = vector.broadcast %max3A : f32 to vector<1x16xf32>
      %max3A_107 = arith.maximumf %sub3A, %max3A_106 : vector<1x16xf32>
      %add3A_108 = arith.constant 9.99999974E-6 : f32
      %add3A_109 = vector.broadcast %add3A_108 : f32 to vector<1x16xf32>
      %add3A_110 = arith.addf %max3A_107, %add3A_109 : vector<1x16xf32>
      %rsqrt3A = math.rsqrt %add3A_110 : vector<1x16xf32>
      %mul3A_111 = arith.mulf %get3A_96, %rsqrt3A : vector<1x16xf32>
      %mul3A_112 = arith.mulf %mul3A_111, %div3A_101 : vector<1x16xf32>
      %sub3A_113 = arith.subf %get3A_99, %mul3A_112 : vector<1x16xf32>
      %mul3A_114 = arith.mulf %mul3A_111, %div3A_101 : vector<1x16xf32>
      %add3A_115 = arith.addf %mul3A_114, %sub3A_113 : vector<1x16xf32>
      %mul3A_116 = arith.mulf %mul3A_111, %mul3A_111 : vector<1x16xf32>
      %mul3A_117 = arith.mulf %mul3A_116, %max3A_107 : vector<1x16xf32>
      %get3A_118 = arith.constant 0 : index
      %get3A_119 = arith.constant 0 : index
      %get3A_120 = vector.load %arg10[%get3A_118, %get3A_119] : memref<16x128xf32, #tpu.memory_space<vmem>>, vector<16x128xf32>
      %dot_general3A_121 = arith.constant dense<0.000000e+00> : vector<1x128xf32>
      %dot_general3A_122 = tpu.matmul %mul3A_111, %get3A_120, %dot_general3A_121 {dimension_numbers = #tpu.dot_dimension_numbers<[1], [0], [0], [1], [0, 0, 1, 1], [], []>, transpose_lhs_hint = false} : vector<1x16xf32>, vector<16x128xf32>, vector<1x128xf32> -> vector<1x128xf32>
      %mul3A_123 = vector.broadcast %dot_general3A_122 : vector<1x128xf32> to vector<3200x128xf32>
      %mul3A_124 = arith.mulf %add3A_87, %mul3A_123 : vector<3200x128xf32>
      %get3A_125 = arith.constant 0 : index
      %get3A_126 = arith.constant 0 : index
      %get3A_127 = vector.load %arg10[%get3A_125, %get3A_126] : memref<16x128xf32, #tpu.memory_space<vmem>>, vector<16x128xf32>
      %dot_general3A_128 = arith.constant dense<0.000000e+00> : vector<1x128xf32>
      %dot_general3A_129 = tpu.matmul %sub3A_113, %get3A_127, %dot_general3A_128 {dimension_numbers = #tpu.dot_dimension_numbers<[1], [0], [0], [1], [0, 0, 1, 1], [], []>, transpose_lhs_hint = false} : vector<1x16xf32>, vector<16x128xf32>, vector<1x128xf32> -> vector<1x128xf32>
      %add3A_130 = vector.broadcast %dot_general3A_129 : vector<1x128xf32> to vector<3200x128xf32>
      %add3A_131 = arith.addf %mul3A_124, %add3A_130 : vector<3200x128xf32>
      %get3A_132 = arith.constant 0 : index
      %get3A_133 = arith.constant 0 : index
      %get3A_134 = vector.load %arg10[%get3A_132, %get3A_133] : memref<16x128xf32, #tpu.memory_space<vmem>>, vector<16x128xf32>
      %dot_general3A_135 = arith.constant dense<0.000000e+00> : vector<1x128xf32>
      %dot_general3A_136 = tpu.matmul %add3A_115, %get3A_134, %dot_general3A_135 {dimension_numbers = #tpu.dot_dimension_numbers<[1], [0], [0], [1], [0, 0, 1, 1], [], []>, transpose_lhs_hint = false} : vector<1x16xf32>, vector<16x128xf32>, vector<1x128xf32> -> vector<1x128xf32>
      %get3A_137 = arith.constant 0 : index
      %get3A_138 = arith.constant 0 : index
      %get3A_139 = vector.load %arg10[%get3A_137, %get3A_138] : memref<16x128xf32, #tpu.memory_space<vmem>>, vector<16x128xf32>
      %dot_general3A_140 = arith.constant dense<0.000000e+00> : vector<1x128xf32>
      %dot_general3A_141 = tpu.matmul %mul3A_117, %get3A_139, %dot_general3A_140 {dimension_numbers = #tpu.dot_dimension_numbers<[1], [0], [0], [1], [0, 0, 1, 1], [], []>, transpose_lhs_hint = false} : vector<1x16xf32>, vector<16x128xf32>, vector<1x128xf32> -> vector<1x128xf32>
      %get3A_142 = arith.constant 0 : index
      %get3A_143 = arith.constant 0 : index
      %get3A_144 = vector.load %arg18[%get3A_142, %get3A_143] : memref<1x128xf32, #tpu.memory_space<vmem>>, vector<1x128xf32>
      %sub3A_145 = vector.broadcast %dot_general3A_136 : vector<1x128xf32> to vector<3200x128xf32>
      %sub3A_146 = arith.subf %add3A_131, %sub3A_145 : vector<3200x128xf32>
      %add3A_147 = arith.constant 9.99999993E-9 : f32
      %add3A_148 = vector.broadcast %add3A_147 : f32 to vector<1x128xf32>
      %add3A_149 = arith.addf %dot_general3A_141, %add3A_148 : vector<1x128xf32>
      %rsqrt3A_150 = math.rsqrt %add3A_149 : vector<1x128xf32>
      %mul3A_151 = vector.broadcast %rsqrt3A_150 : vector<1x128xf32> to vector<3200x128xf32>
      %mul3A_152 = arith.mulf %sub3A_146, %mul3A_151 : vector<3200x128xf32>
      %logistic3A = arith.negf %mul3A_152 : vector<3200x128xf32>
      %logistic3A_153 = math.exp %logistic3A : vector<3200x128xf32>
      %logistic3A_154 = arith.constant 1.000000e+00 : f32
      %logistic3A_155 = vector.broadcast %logistic3A_154 : f32 to vector<3200x128xf32>
      %logistic3A_156 = arith.addf %logistic3A_155, %logistic3A_153 : vector<3200x128xf32>
      %logistic3A_157 = arith.divf %logistic3A_155, %logistic3A_156 : vector<3200x128xf32>
      %sub3A_158 = arith.constant 1.000000e+00 : f32
      %sub3A_159 = vector.broadcast %sub3A_158 : f32 to vector<1x128xf32>
      %sub3A_160 = arith.subf %sub3A_159, %get3A_144 : vector<1x128xf32>
      %mul3A_161 = vector.broadcast %sub3A_160 : vector<1x128xf32> to vector<3200x128xf32>
      %mul3A_162 = arith.mulf %logistic3A_157, %mul3A_161 : vector<3200x128xf32>
      %add3A_163 = vector.broadcast %get3A_144 : vector<1x128xf32> to vector<3200x128xf32>
      %add3A_164 = arith.addf %mul3A_162, %add3A_163 : vector<3200x128xf32>
      %mul3A_165 = arith.mulf %add3A_131, %add3A_164 : vector<3200x128xf32>
      %convert_element_type3A_166 = arith.truncf %mul3A_165 : vector<3200x128xf32> to vector<3200x128xbf16>
      %get3A_167 = arith.constant 0 : index
      %get3A_168 = arith.constant 0 : index
      %get3A_169 = vector.load %arg19[%get3A_167, %get3A_168] : memref<128x128xf32, #tpu.memory_space<vmem>>, vector<128x128xf32>
      %convert_element_type3A_170 = arith.truncf %get3A_169 : vector<128x128xf32> to vector<128x128xbf16>
      %dot_general3A_171 = arith.constant dense<0.000000e+00> : vector<3200x128xf32>
      %dot_general3A_172 = tpu.matmul %convert_element_type3A_166, %convert_element_type3A_170, %dot_general3A_171 {dimension_numbers = #tpu.dot_dimension_numbers<[1], [0], [0], [1], [0, 0, 1, 1], [], []>, transpose_lhs_hint = false} : vector<3200x128xbf16>, vector<128x128xbf16>, vector<3200x128xf32> -> vector<3200x128xf32>
      %get3A_173 = arith.constant 0 : index
      %get3A_174 = arith.constant 0 : index
      %get3A_175 = vector.load %arg20[%get3A_173, %get3A_174] : memref<1x128xf32, #tpu.memory_space<vmem>>, vector<1x128xf32>
      %add3A_176 = vector.broadcast %get3A_175 : vector<1x128xf32> to vector<3200x128xf32>
      %add3A_177 = arith.addf %dot_general3A_172, %add3A_176 : vector<3200x128xf32>
      %get3A_178 = arith.constant 6 : index
      %get3A_179 = arith.constant 0 : index
      %get3A_180 = vector.load %arg39[%get3A_178, %get3A_179] : memref<8x16xf32, #tpu.memory_space<vmem>>, vector<1x16xf32>
      %get3A_181 = arith.constant 7 : index
      %get3A_182 = arith.constant 0 : index
      %get3A_183 = vector.load %arg39[%get3A_181, %get3A_182] : memref<8x16xf32, #tpu.memory_space<vmem>>, vector<1x16xf32>
      %get3A_184 = arith.constant 0 : index
      %get3A_185 = arith.constant 0 : index
      %get3A_186 = vector.load %arg21[%get3A_184, %get3A_185] : memref<1x16xf32, #tpu.memory_space<vmem>>, vector<1x16xf32>
      %get3A_187 = arith.constant 0 : index
      %get3A_188 = arith.constant 0 : index
      %get3A_189 = vector.load %arg22[%get3A_187, %get3A_188] : memref<1x16xf32, #tpu.memory_space<vmem>>, vector<1x16xf32>
      %div3A_190 = arith.constant 8.192000e+05 : f32
      %div3A_191 = vector.broadcast %div3A_190 : f32 to vector<1x16xf32>
      %div3A_192 = arith.divf %get3A_180, %div3A_191 : vector<1x16xf32>
      %div3A_193 = arith.constant 8.192000e+05 : f32
      %div3A_194 = vector.broadcast %div3A_193 : f32 to vector<1x16xf32>
      %div3A_195 = arith.divf %get3A_183, %div3A_194 : vector<1x16xf32>
      %mul3A_196 = arith.mulf %div3A_192, %div3A_192 : vector<1x16xf32>
      %sub3A_197 = arith.subf %div3A_195, %mul3A_196 : vector<1x16xf32>
      %max3A_198 = arith.constant 0.000000e+00 : f32
      %max3A_199 = vector.broadcast %max3A_198 : f32 to vector<1x16xf32>
      %max3A_200 = arith.maximumf %sub3A_197, %max3A_199 : vector<1x16xf32>
      %add3A_201 = arith.constant 9.99999974E-6 : f32
      %add3A_202 = vector.broadcast %add3A_201 : f32 to vector<1x16xf32>
      %add3A_203 = arith.addf %max3A_200, %add3A_202 : vector<1x16xf32>
      %rsqrt3A_204 = math.rsqrt %add3A_203 : vector<1x16xf32>
      %mul3A_205 = arith.mulf %get3A_186, %rsqrt3A_204 : vector<1x16xf32>
      %mul3A_206 = arith.mulf %mul3A_205, %div3A_192 : vector<1x16xf32>
      %sub3A_207 = arith.subf %get3A_189, %mul3A_206 : vector<1x16xf32>
      %mul3A_208 = arith.mulf %mul3A_205, %div3A_192 : vector<1x16xf32>
      %add3A_209 = arith.addf %mul3A_208, %sub3A_207 : vector<1x16xf32>
      %mul3A_210 = arith.mulf %mul3A_205, %mul3A_205 : vector<1x16xf32>
      %mul3A_211 = arith.mulf %mul3A_210, %max3A_200 : vector<1x16xf32>
      %get3A_212 = arith.constant 0 : index
      %get3A_213 = arith.constant 0 : index
      %get3A_214 = vector.load %arg10[%get3A_212, %get3A_213] : memref<16x128xf32, #tpu.memory_space<vmem>>, vector<16x128xf32>
      %dot_general3A_215 = arith.constant dense<0.000000e+00> : vector<1x128xf32>
      %dot_general3A_216 = tpu.matmul %mul3A_205, %get3A_214, %dot_general3A_215 {dimension_numbers = #tpu.dot_dimension_numbers<[1], [0], [0], [1], [0, 0, 1, 1], [], []>, transpose_lhs_hint = false} : vector<1x16xf32>, vector<16x128xf32>, vector<1x128xf32> -> vector<1x128xf32>
      %mul3A_217 = vector.broadcast %dot_general3A_216 : vector<1x128xf32> to vector<3200x128xf32>
      %mul3A_218 = arith.mulf %add3A_177, %mul3A_217 : vector<3200x128xf32>
      %get3A_219 = arith.constant 0 : index
      %get3A_220 = arith.constant 0 : index
      %get3A_221 = vector.load %arg10[%get3A_219, %get3A_220] : memref<16x128xf32, #tpu.memory_space<vmem>>, vector<16x128xf32>
      %dot_general3A_222 = arith.constant dense<0.000000e+00> : vector<1x128xf32>
      %dot_general3A_223 = tpu.matmul %sub3A_207, %get3A_221, %dot_general3A_222 {dimension_numbers = #tpu.dot_dimension_numbers<[1], [0], [0], [1], [0, 0, 1, 1], [], []>, transpose_lhs_hint = false} : vector<1x16xf32>, vector<16x128xf32>, vector<1x128xf32> -> vector<1x128xf32>
      %add3A_224 = vector.broadcast %dot_general3A_223 : vector<1x128xf32> to vector<3200x128xf32>
      %add3A_225 = arith.addf %mul3A_218, %add3A_224 : vector<3200x128xf32>
      %get3A_226 = arith.constant 0 : index
      %get3A_227 = arith.constant 0 : index
      %get3A_228 = vector.load %arg10[%get3A_226, %get3A_227] : memref<16x128xf32, #tpu.memory_space<vmem>>, vector<16x128xf32>
      %dot_general3A_229 = arith.constant dense<0.000000e+00> : vector<1x128xf32>
      %dot_general3A_230 = tpu.matmul %add3A_209, %get3A_228, %dot_general3A_229 {dimension_numbers = #tpu.dot_dimension_numbers<[1], [0], [0], [1], [0, 0, 1, 1], [], []>, transpose_lhs_hint = false} : vector<1x16xf32>, vector<16x128xf32>, vector<1x128xf32> -> vector<1x128xf32>
      %get3A_231 = arith.constant 0 : index
      %get3A_232 = arith.constant 0 : index
      %get3A_233 = vector.load %arg10[%get3A_231, %get3A_232] : memref<16x128xf32, #tpu.memory_space<vmem>>, vector<16x128xf32>
      %dot_general3A_234 = arith.constant dense<0.000000e+00> : vector<1x128xf32>
      %dot_general3A_235 = tpu.matmul %mul3A_211, %get3A_233, %dot_general3A_234 {dimension_numbers = #tpu.dot_dimension_numbers<[1], [0], [0], [1], [0, 0, 1, 1], [], []>, transpose_lhs_hint = false} : vector<1x16xf32>, vector<16x128xf32>, vector<1x128xf32> -> vector<1x128xf32>
      %get3A_236 = arith.constant 0 : index
      %get3A_237 = arith.constant 0 : index
      %get3A_238 = vector.load %arg23[%get3A_236, %get3A_237] : memref<1x128xf32, #tpu.memory_space<vmem>>, vector<1x128xf32>
      %sub3A_239 = vector.broadcast %dot_general3A_230 : vector<1x128xf32> to vector<3200x128xf32>
      %sub3A_240 = arith.subf %add3A_225, %sub3A_239 : vector<3200x128xf32>
      %add3A_241 = arith.constant 9.99999993E-9 : f32
      %add3A_242 = vector.broadcast %add3A_241 : f32 to vector<1x128xf32>
      %add3A_243 = arith.addf %dot_general3A_235, %add3A_242 : vector<1x128xf32>
      %rsqrt3A_244 = math.rsqrt %add3A_243 : vector<1x128xf32>
      %mul3A_245 = vector.broadcast %rsqrt3A_244 : vector<1x128xf32> to vector<3200x128xf32>
      %mul3A_246 = arith.mulf %sub3A_240, %mul3A_245 : vector<3200x128xf32>
      %logistic3A_247 = arith.negf %mul3A_246 : vector<3200x128xf32>
      %logistic3A_248 = math.exp %logistic3A_247 : vector<3200x128xf32>
      %logistic3A_249 = arith.constant 1.000000e+00 : f32
      %logistic3A_250 = vector.broadcast %logistic3A_249 : f32 to vector<3200x128xf32>
      %logistic3A_251 = arith.addf %logistic3A_250, %logistic3A_248 : vector<3200x128xf32>
      %logistic3A_252 = arith.divf %logistic3A_250, %logistic3A_251 : vector<3200x128xf32>
      %sub3A_253 = arith.constant 1.000000e+00 : f32
      %sub3A_254 = vector.broadcast %sub3A_253 : f32 to vector<1x128xf32>
      %sub3A_255 = arith.subf %sub3A_254, %get3A_238 : vector<1x128xf32>
      %mul3A_256 = vector.broadcast %sub3A_255 : vector<1x128xf32> to vector<3200x128xf32>
      %mul3A_257 = arith.mulf %logistic3A_252, %mul3A_256 : vector<3200x128xf32>
      %add3A_258 = vector.broadcast %get3A_238 : vector<1x128xf32> to vector<3200x128xf32>
      %add3A_259 = arith.addf %mul3A_257, %add3A_258 : vector<3200x128xf32>
      %mul3A_260 = arith.mulf %add3A_225, %add3A_259 : vector<3200x128xf32>
      %convert_element_type3A_261 = arith.truncf %mul3A_260 : vector<3200x128xf32> to vector<3200x128xbf16>
      %get3A_262 = arith.constant 0 : index
      %get3A_263 = arith.constant 0 : index
      %get3A_264 = vector.load %arg24[%get3A_262, %get3A_263] : memref<128x128xf32, #tpu.memory_space<vmem>>, vector<128x128xf32>
      %convert_element_type3A_265 = arith.truncf %get3A_264 : vector<128x128xf32> to vector<128x128xbf16>
      %dot_general3A_266 = arith.constant dense<0.000000e+00> : vector<3200x128xf32>
      %dot_general3A_267 = tpu.matmul %convert_element_type3A_261, %convert_element_type3A_265, %dot_general3A_266 {dimension_numbers = #tpu.dot_dimension_numbers<[1], [0], [0], [1], [0, 0, 1, 1], [], []>, transpose_lhs_hint = false} : vector<3200x128xbf16>, vector<128x128xbf16>, vector<3200x128xf32> -> vector<3200x128xf32>
      %get3A_268 = arith.constant 0 : index
      %get3A_269 = arith.constant 0 : index
      %get3A_270 = vector.load %arg25[%get3A_268, %get3A_269] : memref<1x1xf32, #tpu.memory_space<vmem>>, vector<1x1xf32>
      %add3A_271 = vector.broadcast %get3A_270 : vector<1x1xf32> to vector<3200x128xf32>
      %add3A_272 = arith.addf %dot_general3A_267, %add3A_271 : vector<3200x128xf32>
      %mul3A_273 = arith.constant 128 : i32
      %mul3A_274 = arith.muli %arg1, %mul3A_273 : i32
      %get3A_275 = arith.index_cast %mul3A_274 : i32 to index
      %get3A_276 = arith.constant 0 : index
      %get3A_277 = vector.load %arg7[%get3A_275, %get3A_276] : memref<4096x2xf32, #tpu.memory_space<vmem>>, vector<128x2xf32>
      %get3A_278 = arith.constant 0 : index
      %get3A_279 = arith.constant 0 : index
      %get3A_280 = vector.load %arg8[%get3A_278, %get3A_279] : memref<3200x128xf32, #tpu.memory_space<vmem>>, vector<3200x128xf32>
      %convert_element_type3A_281 = arith.truncf %get3A_280 : vector<3200x128xf32> to vector<3200x128xbf16>
      %convert_element_type3A_282 = arith.truncf %get3A_277 : vector<128x2xf32> to vector<128x2xbf16>
      %dot_general3A_283 = arith.constant dense<0.000000e+00> : vector<3200x2xf32>
      %dot_general3A_284 = tpu.matmul %convert_element_type3A_281, %convert_element_type3A_282, %dot_general3A_283 {dimension_numbers = #tpu.dot_dimension_numbers<[1], [0], [0], [1], [0, 0, 1, 1], [], []>, transpose_lhs_hint = false} : vector<3200x128xbf16>, vector<128x2xbf16>, vector<3200x2xf32> -> vector<3200x2xf32>
      %get3A_285 = arith.constant 0 : index
      %get3A_286 = arith.constant 0 : index
      %get3A_287 = vector.load %arg9[%get3A_285, %get3A_286] : memref<3200x128xf32, #tpu.memory_space<vmem>>, vector<3200x128xf32>
      %slice3A = vector.extract_strided_slice %dot_general3A_284 {offsets = [0, 1], sizes = [3200, 1], strides = [1, 1]} : vector<3200x2xf32> to vector<3200x1xf32>
      %lt3A = vector.broadcast %slice3A : vector<3200x1xf32> to vector<3200x128xf32>
      %lt3A_288 = arith.cmpf olt, %get3A_287, %lt3A : vector<3200x128xf32>
      %jit3A = arith.constant 0.000000e+00 : f32
      %broadcast_in_dim3A = vector.broadcast %jit3A : f32 to vector<3200x128xf32>
      %select_n3A = arith.select %lt3A_288, %add3A_272, %broadcast_in_dim3A : vector<3200x128xi1>, vector<3200x128xf32>
      %mul3A_289 = arith.mulf %get3A_43, %select_n3A : vector<3200x128xf32>
      %convert_element_type3A_290 = arith.truncf %mul3A_289 : vector<3200x128xf32> to vector<3200x128xbf16>
      %get3A_291 = arith.constant 0 : index
      %get3A_292 = arith.constant 0 : index
      %get3A_293 = vector.load %arg8[%get3A_291, %get3A_292] : memref<3200x128xf32, #tpu.memory_space<vmem>>, vector<3200x128xf32>
      %convert_element_type3A_294 = arith.truncf %get3A_293 : vector<3200x128xf32> to vector<3200x128xbf16>
      %dot_general3A_295 = arith.constant dense<0.000000e+00> : vector<128x128xf32>
      %dot_general3A_296 = tpu.matmul %convert_element_type3A_294, %convert_element_type3A_290, %dot_general3A_295 {dimension_numbers = #tpu.dot_dimension_numbers<[0], [0], [1], [1], [0, 1, 1, 1], [], []>, transpose_lhs_hint = false} : vector<3200x128xbf16>, vector<3200x128xbf16>, vector<128x128xf32> -> vector<128x128xf32>
      %get3A_297 = arith.constant 0 : index
      %get3A_298 = arith.constant 0 : index
      %get3A_299 = vector.load %arg11[%get3A_297, %get3A_298] : memref<128x16xf32, #tpu.memory_space<vmem>>, vector<128x16xf32>
      %dot_general3A_300 = arith.constant dense<0.000000e+00> : vector<128x16xf32>
      %dot_general3A_301 = tpu.matmul %dot_general3A_296, %get3A_299, %dot_general3A_300 {dimension_numbers = #tpu.dot_dimension_numbers<[1], [0], [0], [1], [0, 0, 1, 1], [], []>, transpose_lhs_hint = false} : vector<128x128xf32>, vector<128x16xf32>, vector<128x16xf32> -> vector<128x16xf32>
      %mul3A_302 = arith.constant 128 : i32
      %mul3A_303 = arith.muli %arg1, %mul3A_302 : i32
      %swap3A = arith.index_cast %mul3A_303 : i32 to index
      %swap3A_304 = arith.constant 0 : index
      %swap3A_305 = vector.load %arg41[%swap3A, %swap3A_304] : memref<4096x16xf32, #tpu.memory_space<vmem>>, vector<128x16xf32>
      tpu.vector_store %arg41[%swap3A, %swap3A_304], %dot_general3A_301 {strides = array<i32>} : memref<4096x16xf32, #tpu.memory_space<vmem>>, vector<128x16xf32>,
    } else {
    }
    %eq3A_34 = arith.constant 2 : i32
    %eq3A_35 = arith.cmpi eq, %arg0, %eq3A_34 : i32
    %eq3A_36 = arith.constant 31 : i32
    %eq3A_37 = arith.cmpi eq, %arg1, %eq3A_36 : i32
    %and3A_38 = arith.andi %eq3A_35, %eq3A_37 : i1
    %convert_element_type3A_39 = arith.extui %and3A_38 : i1 to i32
    %cond3A_40 = arith.constant 0 : i32
    %cond3A_41 = arith.cmpi ne, %convert_element_type3A_39, %cond3A_40 : i32
    scf.if %cond3A_41 {
      %get3A = arith.constant 0 : index
      %get3A_42 = arith.constant 0 : index
      %get3A_43 = vector.load %arg4[%get3A, %get3A_42] : memref<4096x16xf32, #tpu.memory_space<vmem>>, vector<4096x16xf32>
      %get3A_44 = arith.constant 0 : index
      %get3A_45 = arith.constant 0 : index
      %get3A_46 = vector.load %arg26[%get3A_44, %get3A_45] : memref<80x32xf32, #tpu.memory_space<vmem>>, vector<16x32xf32>
      %dot_general3A = arith.constant dense<0.000000e+00> : vector<4096x32xf32>
      %dot_general3A_47 = tpu.matmul %get3A_43, %get3A_46, %dot_general3A {dimension_numbers = #tpu.dot_dimension_numbers<[1], [0], [0], [1], [0, 0, 1, 1], [], []>, transpose_lhs_hint = false} : vector<4096x16xf32>, vector<16x32xf32>, vector<4096x32xf32> -> vector<4096x32xf32>
      %get3A_48 = arith.constant 0 : index
      %get3A_49 = arith.constant 0 : index
      %get3A_50 = vector.load %arg40[%get3A_48, %get3A_49] : memref<4096x16xf32, #tpu.memory_space<vmem>>, vector<4096x16xf32>
      %get3A_51 = arith.constant 16 : index
      %get3A_52 = arith.constant 0 : index
      %get3A_53 = vector.load %arg26[%get3A_51, %get3A_52] : memref<80x32xf32, #tpu.memory_space<vmem>>, vector<16x32xf32>
      %dot_general3A_54 = arith.constant dense<0.000000e+00> : vector<4096x32xf32>
      %dot_general3A_55 = tpu.matmul %get3A_50, %get3A_53, %dot_general3A_54 {dimension_numbers = #tpu.dot_dimension_numbers<[1], [0], [0], [1], [0, 0, 1, 1], [], []>, transpose_lhs_hint = false} : vector<4096x16xf32>, vector<16x32xf32>, vector<4096x32xf32> -> vector<4096x32xf32>
      %add3A = arith.addf %dot_general3A_47, %dot_general3A_55 : vector<4096x32xf32>
      %get3A_56 = arith.constant 0 : index
      %get3A_57 = arith.constant 0 : index
      %get3A_58 = vector.load %arg5[%get3A_56, %get3A_57] : memref<4096x16xf32, #tpu.memory_space<vmem>>, vector<4096x16xf32>
      %get3A_59 = arith.constant 32 : index
      %get3A_60 = arith.constant 0 : index
      %get3A_61 = vector.load %arg26[%get3A_59, %get3A_60] : memref<80x32xf32, #tpu.memory_space<vmem>>, vector<16x32xf32>
      %dot_general3A_62 = arith.constant dense<0.000000e+00> : vector<4096x32xf32>
      %dot_general3A_63 = tpu.matmul %get3A_58, %get3A_61, %dot_general3A_62 {dimension_numbers = #tpu.dot_dimension_numbers<[1], [0], [0], [1], [0, 0, 1, 1], [], []>, transpose_lhs_hint = false} : vector<4096x16xf32>, vector<16x32xf32>, vector<4096x32xf32> -> vector<4096x32xf32>
      %add3A_64 = arith.addf %add3A, %dot_general3A_63 : vector<4096x32xf32>
      %get3A_65 = arith.constant 0 : index
      %get3A_66 = arith.constant 0 : index
      %get3A_67 = vector.load %arg41[%get3A_65, %get3A_66] : memref<4096x16xf32, #tpu.memory_space<vmem>>, vector<4096x16xf32>
      %get3A_68 = arith.constant 48 : index
      %get3A_69 = arith.constant 0 : index
      %get3A_70 = vector.load %arg26[%get3A_68, %get3A_69] : memref<80x32xf32, #tpu.memory_space<vmem>>, vector<16x32xf32>
      %dot_general3A_71 = arith.constant dense<0.000000e+00> : vector<4096x32xf32>
      %dot_general3A_72 = tpu.matmul %get3A_67, %get3A_70, %dot_general3A_71 {dimension_numbers = #tpu.dot_dimension_numbers<[1], [0], [0], [1], [0, 0, 1, 1], [], []>, transpose_lhs_hint = false} : vector<4096x16xf32>, vector<16x32xf32>, vector<4096x32xf32> -> vector<4096x32xf32>
      %add3A_73 = arith.addf %add3A_64, %dot_general3A_72 : vector<4096x32xf32>
      %get3A_74 = arith.constant 0 : index
      %get3A_75 = arith.constant 0 : index
      %get3A_76 = vector.load %arg6[%get3A_74, %get3A_75] : memref<4096x16xf32, #tpu.memory_space<vmem>>, vector<4096x16xf32>
      %get3A_77 = arith.constant 64 : index
      %get3A_78 = arith.constant 0 : index
      %get3A_79 = vector.load %arg26[%get3A_77, %get3A_78] : memref<80x32xf32, #tpu.memory_space<vmem>>, vector<16x32xf32>
      %dot_general3A_80 = arith.constant dense<0.000000e+00> : vector<4096x32xf32>
      %dot_general3A_81 = tpu.matmul %get3A_76, %get3A_79, %dot_general3A_80 {dimension_numbers = #tpu.dot_dimension_numbers<[1], [0], [0], [1], [0, 0, 1, 1], [], []>, transpose_lhs_hint = false} : vector<4096x16xf32>, vector<16x32xf32>, vector<4096x32xf32> -> vector<4096x32xf32>
      %add3A_82 = arith.addf %add3A_73, %dot_general3A_81 : vector<4096x32xf32>
      %get3A_83 = arith.constant 0 : index
      %get3A_84 = arith.constant 0 : index
      %get3A_85 = vector.load %arg27[%get3A_83, %get3A_84] : memref<1x32xf32, #tpu.memory_space<vmem>>, vector<1x32xf32>
      %add3A_86 = vector.broadcast %get3A_85 : vector<1x32xf32> to vector<4096x32xf32>
      %add3A_87 = arith.addf %add3A_82, %add3A_86 : vector<4096x32xf32>
      %get3A_88 = arith.constant 0 : index
      %get3A_89 = arith.constant 0 : index
      %get3A_90 = vector.load %arg28[%get3A_88, %get3A_89] : memref<1x32xf32, #tpu.memory_space<vmem>>, vector<1x32xf32>
      %get3A_91 = arith.constant 0 : index
      %get3A_92 = arith.constant 0 : index
      %get3A_93 = vector.load %arg29[%get3A_91, %get3A_92] : memref<1x32xf32, #tpu.memory_space<vmem>>, vector<1x32xf32>
      %get3A_94 = arith.constant 0 : index
      %get3A_95 = arith.constant 0 : index
      %get3A_96 = vector.load %arg30[%get3A_94, %get3A_95] : memref<1x32xf32, #tpu.memory_space<vmem>>, vector<1x32xf32>
      %broadcast_in_dim3A = arith.constant 1.000000e+00 : f32
      %broadcast_in_dim3A_97 = vector.broadcast %broadcast_in_dim3A : f32 to vector<1x4096xf32>
      %dot_general3A_98 = arith.constant dense<0.000000e+00> : vector<1x32xf32>
      %dot_general3A_99 = tpu.matmul %broadcast_in_dim3A_97, %add3A_87, %dot_general3A_98 {dimension_numbers = #tpu.dot_dimension_numbers<[1], [0], [0], [1], [0, 0, 1, 1], [], []>, transpose_lhs_hint = false} : vector<1x4096xf32>, vector<4096x32xf32>, vector<1x32xf32> -> vector<1x32xf32>
      %div3A = arith.constant 4.096000e+03 : f32
      %div3A_100 = vector.broadcast %div3A : f32 to vector<1x32xf32>
      %div3A_101 = arith.divf %dot_general3A_99, %div3A_100 : vector<1x32xf32>
      %mul3A = arith.mulf %add3A_87, %add3A_87 : vector<4096x32xf32>
      %dot_general3A_102 = arith.constant dense<0.000000e+00> : vector<1x32xf32>
      %dot_general3A_103 = tpu.matmul %broadcast_in_dim3A_97, %mul3A, %dot_general3A_102 {dimension_numbers = #tpu.dot_dimension_numbers<[1], [0], [0], [1], [0, 0, 1, 1], [], []>, transpose_lhs_hint = false} : vector<1x4096xf32>, vector<4096x32xf32>, vector<1x32xf32> -> vector<1x32xf32>
      %div3A_104 = arith.constant 4.096000e+03 : f32
      %div3A_105 = vector.broadcast %div3A_104 : f32 to vector<1x32xf32>
      %div3A_106 = arith.divf %dot_general3A_103, %div3A_105 : vector<1x32xf32>
      %mul3A_107 = arith.mulf %div3A_101, %div3A_101 : vector<1x32xf32>
      %sub3A = arith.subf %div3A_106, %mul3A_107 : vector<1x32xf32>
      %max3A = arith.constant 0.000000e+00 : f32
      %max3A_108 = vector.broadcast %max3A : f32 to vector<1x32xf32>
      %max3A_109 = arith.maximumf %sub3A, %max3A_108 : vector<1x32xf32>
      %add3A_110 = arith.constant 9.99999974E-6 : f32
      %add3A_111 = vector.broadcast %add3A_110 : f32 to vector<1x32xf32>
      %add3A_112 = arith.addf %max3A_109, %add3A_111 : vector<1x32xf32>
      %rsqrt3A = math.rsqrt %add3A_112 : vector<1x32xf32>
      %mul3A_113 = arith.mulf %rsqrt3A, %get3A_90 : vector<1x32xf32>
      %sub3A_114 = vector.broadcast %div3A_101 : vector<1x32xf32> to vector<4096x32xf32>
      %sub3A_115 = arith.subf %add3A_87, %sub3A_114 : vector<4096x32xf32>
      %mul3A_116 = vector.broadcast %mul3A_113 : vector<1x32xf32> to vector<4096x32xf32>
      %mul3A_117 = arith.mulf %sub3A_115, %mul3A_116 : vector<4096x32xf32>
      %add3A_118 = vector.broadcast %get3A_93 : vector<1x32xf32> to vector<4096x32xf32>
      %add3A_119 = arith.addf %mul3A_117, %add3A_118 : vector<4096x32xf32>
      %mul3A_120 = arith.mulf %mul3A_113, %mul3A_113 : vector<1x32xf32>
      %mul3A_121 = arith.mulf %mul3A_120, %max3A_109 : vector<1x32xf32>
      %sub3A_122 = vector.broadcast %get3A_93 : vector<1x32xf32> to vector<4096x32xf32>
      %sub3A_123 = arith.subf %add3A_119, %sub3A_122 : vector<4096x32xf32>
      %add3A_124 = arith.constant 9.99999993E-9 : f32
      %add3A_125 = vector.broadcast %add3A_124 : f32 to vector<1x32xf32>
      %add3A_126 = arith.addf %mul3A_121, %add3A_125 : vector<1x32xf32>
      %rsqrt3A_127 = math.rsqrt %add3A_126 : vector<1x32xf32>
      %mul3A_128 = vector.broadcast %rsqrt3A_127 : vector<1x32xf32> to vector<4096x32xf32>
      %mul3A_129 = arith.mulf %sub3A_123, %mul3A_128 : vector<4096x32xf32>
      %logistic3A = arith.negf %mul3A_129 : vector<4096x32xf32>
      %logistic3A_130 = math.exp %logistic3A : vector<4096x32xf32>
      %logistic3A_131 = arith.constant 1.000000e+00 : f32
      %logistic3A_132 = vector.broadcast %logistic3A_131 : f32 to vector<4096x32xf32>
      %logistic3A_133 = arith.addf %logistic3A_132, %logistic3A_130 : vector<4096x32xf32>
      %logistic3A_134 = arith.divf %logistic3A_132, %logistic3A_133 : vector<4096x32xf32>
      %sub3A_135 = arith.constant 1.000000e+00 : f32
      %sub3A_136 = vector.broadcast %sub3A_135 : f32 to vector<1x32xf32>
      %sub3A_137 = arith.subf %sub3A_136, %get3A_96 : vector<1x32xf32>
      %mul3A_138 = vector.broadcast %sub3A_137 : vector<1x32xf32> to vector<4096x32xf32>
      %mul3A_139 = arith.mulf %logistic3A_134, %mul3A_138 : vector<4096x32xf32>
      %add3A_140 = vector.broadcast %get3A_96 : vector<1x32xf32> to vector<4096x32xf32>
      %add3A_141 = arith.addf %mul3A_139, %add3A_140 : vector<4096x32xf32>
      %mul3A_142 = arith.mulf %add3A_119, %add3A_141 : vector<4096x32xf32>
      %get3A_143 = arith.constant 0 : index
      %get3A_144 = arith.constant 0 : index
      %get3A_145 = vector.load %arg31[%get3A_143, %get3A_144] : memref<32x16xf32, #tpu.memory_space<vmem>>, vector<32x16xf32>
      %dot_general3A_146 = arith.constant dense<0.000000e+00> : vector<4096x16xf32>
      %dot_general3A_147 = tpu.matmul %mul3A_142, %get3A_145, %dot_general3A_146 {dimension_numbers = #tpu.dot_dimension_numbers<[1], [0], [0], [1], [0, 0, 1, 1], [], []>, transpose_lhs_hint = false} : vector<4096x32xf32>, vector<32x16xf32>, vector<4096x16xf32> -> vector<4096x16xf32>
      %get3A_148 = arith.constant 0 : index
      %get3A_149 = arith.constant 0 : index
      %get3A_150 = vector.load %arg32[%get3A_148, %get3A_149] : memref<1x16xf32, #tpu.memory_space<vmem>>, vector<1x16xf32>
      %add3A_151 = vector.broadcast %get3A_150 : vector<1x16xf32> to vector<4096x16xf32>
      %add3A_152 = arith.addf %dot_general3A_147, %add3A_151 : vector<4096x16xf32>
      %get3A_153 = arith.constant 0 : index
      %get3A_154 = arith.constant 0 : index
      %get3A_155 = vector.load %arg33[%get3A_153, %get3A_154] : memref<1x16xf32, #tpu.memory_space<vmem>>, vector<1x16xf32>
      %get3A_156 = arith.constant 0 : index
      %get3A_157 = arith.constant 0 : index
      %get3A_158 = vector.load %arg34[%get3A_156, %get3A_157] : memref<1x16xf32, #tpu.memory_space<vmem>>, vector<1x16xf32>
      %get3A_159 = arith.constant 0 : index
      %get3A_160 = arith.constant 0 : index
      %get3A_161 = vector.load %arg35[%get3A_159, %get3A_160] : memref<1x16xf32, #tpu.memory_space<vmem>>, vector<1x16xf32>
      %broadcast_in_dim3A_162 = arith.constant 1.000000e+00 : f32
      %broadcast_in_dim3A_163 = vector.broadcast %broadcast_in_dim3A_162 : f32 to vector<1x4096xf32>
      %dot_general3A_164 = arith.constant dense<0.000000e+00> : vector<1x16xf32>
      %dot_general3A_165 = tpu.matmul %broadcast_in_dim3A_163, %add3A_152, %dot_general3A_164 {dimension_numbers = #tpu.dot_dimension_numbers<[1], [0], [0], [1], [0, 0, 1, 1], [], []>, transpose_lhs_hint = false} : vector<1x4096xf32>, vector<4096x16xf32>, vector<1x16xf32> -> vector<1x16xf32>
      %div3A_166 = arith.constant 4.096000e+03 : f32
      %div3A_167 = vector.broadcast %div3A_166 : f32 to vector<1x16xf32>
      %div3A_168 = arith.divf %dot_general3A_165, %div3A_167 : vector<1x16xf32>
      %mul3A_169 = arith.mulf %add3A_152, %add3A_152 : vector<4096x16xf32>
      %dot_general3A_170 = arith.constant dense<0.000000e+00> : vector<1x16xf32>
      %dot_general3A_171 = tpu.matmul %broadcast_in_dim3A_163, %mul3A_169, %dot_general3A_170 {dimension_numbers = #tpu.dot_dimension_numbers<[1], [0], [0], [1], [0, 0, 1, 1], [], []>, transpose_lhs_hint = false} : vector<1x4096xf32>, vector<4096x16xf32>, vector<1x16xf32> -> vector<1x16xf32>
      %div3A_172 = arith.constant 4.096000e+03 : f32
      %div3A_173 = vector.broadcast %div3A_172 : f32 to vector<1x16xf32>
      %div3A_174 = arith.divf %dot_general3A_171, %div3A_173 : vector<1x16xf32>
      %mul3A_175 = arith.mulf %div3A_168, %div3A_168 : vector<1x16xf32>
      %sub3A_176 = arith.subf %div3A_174, %mul3A_175 : vector<1x16xf32>
      %max3A_177 = arith.constant 0.000000e+00 : f32
      %max3A_178 = vector.broadcast %max3A_177 : f32 to vector<1x16xf32>
      %max3A_179 = arith.maximumf %sub3A_176, %max3A_178 : vector<1x16xf32>
      %add3A_180 = arith.constant 9.99999974E-6 : f32
      %add3A_181 = vector.broadcast %add3A_180 : f32 to vector<1x16xf32>
      %add3A_182 = arith.addf %max3A_179, %add3A_181 : vector<1x16xf32>
      %rsqrt3A_183 = math.rsqrt %add3A_182 : vector<1x16xf32>
      %mul3A_184 = arith.mulf %rsqrt3A_183, %get3A_155 : vector<1x16xf32>
      %sub3A_185 = vector.broadcast %div3A_168 : vector<1x16xf32> to vector<4096x16xf32>
      %sub3A_186 = arith.subf %add3A_152, %sub3A_185 : vector<4096x16xf32>
      %mul3A_187 = vector.broadcast %mul3A_184 : vector<1x16xf32> to vector<4096x16xf32>
      %mul3A_188 = arith.mulf %sub3A_186, %mul3A_187 : vector<4096x16xf32>
      %add3A_189 = vector.broadcast %get3A_158 : vector<1x16xf32> to vector<4096x16xf32>
      %add3A_190 = arith.addf %mul3A_188, %add3A_189 : vector<4096x16xf32>
      %mul3A_191 = arith.mulf %mul3A_184, %mul3A_184 : vector<1x16xf32>
      %mul3A_192 = arith.mulf %mul3A_191, %max3A_179 : vector<1x16xf32>
      %sub3A_193 = vector.broadcast %get3A_158 : vector<1x16xf32> to vector<4096x16xf32>
      %sub3A_194 = arith.subf %add3A_190, %sub3A_193 : vector<4096x16xf32>
      %add3A_195 = arith.constant 9.99999993E-9 : f32
      %add3A_196 = vector.broadcast %add3A_195 : f32 to vector<1x16xf32>
      %add3A_197 = arith.addf %mul3A_192, %add3A_196 : vector<1x16xf32>
      %rsqrt3A_198 = math.rsqrt %add3A_197 : vector<1x16xf32>
      %mul3A_199 = vector.broadcast %rsqrt3A_198 : vector<1x16xf32> to vector<4096x16xf32>
      %mul3A_200 = arith.mulf %sub3A_194, %mul3A_199 : vector<4096x16xf32>
      %logistic3A_201 = arith.negf %mul3A_200 : vector<4096x16xf32>
      %logistic3A_202 = math.exp %logistic3A_201 : vector<4096x16xf32>
      %logistic3A_203 = arith.constant 1.000000e+00 : f32
      %logistic3A_204 = vector.broadcast %logistic3A_203 : f32 to vector<4096x16xf32>
      %logistic3A_205 = arith.addf %logistic3A_204, %logistic3A_202 : vector<4096x16xf32>
      %logistic3A_206 = arith.divf %logistic3A_204, %logistic3A_205 : vector<4096x16xf32>
      %sub3A_207 = arith.constant 1.000000e+00 : f32
      %sub3A_208 = vector.broadcast %sub3A_207 : f32 to vector<1x16xf32>
      %sub3A_209 = arith.subf %sub3A_208, %get3A_161 : vector<1x16xf32>
      %mul3A_210 = vector.broadcast %sub3A_209 : vector<1x16xf32> to vector<4096x16xf32>
      %mul3A_211 = arith.mulf %logistic3A_206, %mul3A_210 : vector<4096x16xf32>
      %add3A_212 = vector.broadcast %get3A_161 : vector<1x16xf32> to vector<4096x16xf32>
      %add3A_213 = arith.addf %mul3A_211, %add3A_212 : vector<4096x16xf32>
      %mul3A_214 = arith.mulf %add3A_190, %add3A_213 : vector<4096x16xf32>
      %get3A_215 = arith.constant 0 : index
      %get3A_216 = arith.constant 0 : index
      %get3A_217 = vector.load %arg36[%get3A_215, %get3A_216] : memref<16x1xf32, #tpu.memory_space<vmem>>, vector<16x1xf32>
      %dot_general3A_218 = arith.constant dense<0.000000e+00> : vector<4096x1xf32>
      %dot_general3A_219 = tpu.matmul %mul3A_214, %get3A_217, %dot_general3A_218 {dimension_numbers = #tpu.dot_dimension_numbers<[1], [0], [0], [1], [0, 0, 1, 1], [], []>, transpose_lhs_hint = false} : vector<4096x16xf32>, vector<16x1xf32>, vector<4096x1xf32> -> vector<4096x1xf32>
      %get3A_220 = arith.constant 0 : index
      %get3A_221 = arith.constant 0 : index
      %get3A_222 = vector.load %arg37[%get3A_220, %get3A_221] : memref<1x1xf32, #tpu.memory_space<vmem>>, vector<1x1xf32>
      %add3A_223 = vector.broadcast %get3A_222 : vector<1x1xf32> to vector<4096x1xf32>
      %add3A_224 = arith.addf %dot_general3A_219, %add3A_223 : vector<4096x1xf32>
      %logistic3A_225 = arith.negf %add3A_224 : vector<4096x1xf32>
      %logistic3A_226 = math.exp %logistic3A_225 : vector<4096x1xf32>
      %logistic3A_227 = arith.constant 1.000000e+00 : f32
      %logistic3A_228 = vector.broadcast %logistic3A_227 : f32 to vector<4096x1xf32>
      %logistic3A_229 = arith.addf %logistic3A_228, %logistic3A_226 : vector<4096x1xf32>
      %logistic3A_230 = arith.divf %logistic3A_228, %logistic3A_229 : vector<4096x1xf32>
      %swap3A = arith.constant 0 : index
      %swap3A_231 = arith.constant 0 : index
      %swap3A_232 = vector.load %arg38[%swap3A, %swap3A_231] : memref<4096x1xf32, #tpu.memory_space<vmem>>, vector<4096x1xf32>
      tpu.vector_store %arg38[%swap3A, %swap3A_231], %logistic3A_230 {strides = array<i32>} : memref<4096x1xf32, #tpu.memory_space<vmem>>, vector<4096x1xf32>,
    } else {
    }
    return
  }
  func.func @transform_0(%arg0: i32, %arg1: i32) -> (i32, i32) {
    %c0_i32 = arith.constant 0 : i32
    %c0_i32_0 = arith.constant 0 : i32
    return %arg1, %c0_i32 : i32, i32
  }
  func.func @transform_1(%arg0: i32, %arg1: i32) -> (i32, i32) {
    %add3A = arith.constant 32 : i32
    %add3A_0 = arith.addi %add3A, %arg1 : i32
    %c0_i32 = arith.constant 0 : i32
    %c0_i32_1 = arith.constant 0 : i32
    return %add3A_0, %c0_i32 : i32, i32
  }
  func.func @transform_2(%arg0: i32, %arg1: i32) -> (i32, i32) {
    %c0_i32 = arith.constant 0 : i32
    %c0_i32_0 = arith.constant 0 : i32
    %c0_i32_1 = arith.constant 0 : i32
    return %c0_i32, %c0_i32_0 : i32, i32
  }
  func.func @transform_3(%arg0: i32, %arg1: i32) -> (i32, i32) {
    %c0_i32 = arith.constant 0 : i32
    %c0_i32_0 = arith.constant 0 : i32
    %c0_i32_1 = arith.constant 0 : i32
    return %c0_i32, %c0_i32_0 : i32, i32
  }
  func.func @transform_4(%arg0: i32, %arg1: i32) -> (i32, i32) {
    %c0_i32 = arith.constant 0 : i32
    %c0_i32_0 = arith.constant 0 : i32
    %c0_i32_1 = arith.constant 0 : i32
    return %c0_i32, %c0_i32_0 : i32, i32
  }
  func.func @transform_5(%arg0: i32, %arg1: i32) -> (i32, i32) {
    %c0_i32 = arith.constant 0 : i32
    %c0_i32_0 = arith.constant 0 : i32
    %c0_i32_1 = arith.constant 0 : i32
    return %c0_i32, %c0_i32_0 : i32, i32
  }
  func.func @transform_6(%arg0: i32, %arg1: i32) -> (i32, i32) {
    %c0_i32 = arith.constant 0 : i32
    %c0_i32_0 = arith.constant 0 : i32
    %c0_i32_1 = arith.constant 0 : i32
    return %c0_i32, %c0_i32_0 : i32, i32
  }
  func.func @transform_7(%arg0: i32, %arg1: i32) -> (i32, i32) {
    %c0_i32 = arith.constant 0 : i32
    %c0_i32_0 = arith.constant 0 : i32
    %c0_i32_1 = arith.constant 0 : i32
    return %c0_i32, %c0_i32_0 : i32, i32
  }
  func.func @transform_8(%arg0: i32, %arg1: i32) -> (i32, i32) {
    %c0_i32 = arith.constant 0 : i32
    %c0_i32_0 = arith.constant 0 : i32
    %c0_i32_1 = arith.constant 0 : i32
    return %c0_i32, %c0_i32_0 : i32, i32
  }
  func.func @transform_9(%arg0: i32, %arg1: i32) -> (i32, i32) {
    %c0_i32 = arith.constant 0 : i32
    %c0_i32_0 = arith.constant 0 : i32
    %c0_i32_1 = arith.constant 0 : i32
    return %c0_i32, %c0_i32_0 : i32, i32
  }
  func.func @transform_10(%arg0: i32, %arg1: i32) -> (i32, i32) {
    %c0_i32 = arith.constant 0 : i32
    %c0_i32_0 = arith.constant 0 : i32
    %c0_i32_1 = arith.constant 0 : i32
    return %c0_i32, %c0_i32_0 : i32, i32
  }
  func.func @transform_11(%arg0: i32, %arg1: i32) -> (i32, i32) {
    %c0_i32 = arith.constant 0 : i32
    %c0_i32_0 = arith.constant 0 : i32
    %c0_i32_1 = arith.constant 0 : i32
    return %c0_i32, %c0_i32_0 : i32, i32
  }
  func.func @transform_12(%arg0: i32, %arg1: i32) -> (i32, i32) {
    %c0_i32 = arith.constant 0 : i32
    %c0_i32_0 = arith.constant 0 : i32
    %c0_i32_1 = arith.constant 0 : i32
    return %c0_i32, %c0_i32_0 : i32, i32
  }
  func.func @transform_13(%arg0: i32, %arg1: i32) -> (i32, i32) {
    %c0_i32 = arith.constant 0 : i32
    %c0_i32_0 = arith.constant 0 : i32
    %c0_i32_1 = arith.constant 0 : i32
    return %c0_i32, %c0_i32_0 : i32, i32
  }
  func.func @transform_14(%arg0: i32, %arg1: i32) -> (i32, i32) {
    %c0_i32 = arith.constant 0 : i32
    %c0_i32_0 = arith.constant 0 : i32
    %c0_i32_1 = arith.constant 0 : i32
    return %c0_i32, %c0_i32_0 : i32, i32
  }
  func.func @transform_15(%arg0: i32, %arg1: i32) -> (i32, i32) {
    %c0_i32 = arith.constant 0 : i32
    %c0_i32_0 = arith.constant 0 : i32
    %c0_i32_1 = arith.constant 0 : i32
    return %c0_i32, %c0_i32_0 : i32, i32
  }
  func.func @transform_16(%arg0: i32, %arg1: i32) -> (i32, i32) {
    %c0_i32 = arith.constant 0 : i32
    %c0_i32_0 = arith.constant 0 : i32
    %c0_i32_1 = arith.constant 0 : i32
    return %c0_i32, %c0_i32_0 : i32, i32
  }
  func.func @transform_17(%arg0: i32, %arg1: i32) -> (i32, i32) {
    %c0_i32 = arith.constant 0 : i32
    %c0_i32_0 = arith.constant 0 : i32
    %c0_i32_1 = arith.constant 0 : i32
    return %c0_i32, %c0_i32_0 : i32, i32
  }
  func.func @transform_18(%arg0: i32, %arg1: i32) -> (i32, i32) {
    %c0_i32 = arith.constant 0 : i32
    %c0_i32_0 = arith.constant 0 : i32
    %c0_i32_1 = arith.constant 0 : i32
    return %c0_i32, %c0_i32_0 : i32, i32
  }
  func.func @transform_19(%arg0: i32, %arg1: i32) -> (i32, i32) {
    %c0_i32 = arith.constant 0 : i32
    %c0_i32_0 = arith.constant 0 : i32
    %c0_i32_1 = arith.constant 0 : i32
    return %c0_i32, %c0_i32_0 : i32, i32
  }
  func.func @transform_20(%arg0: i32, %arg1: i32) -> (i32, i32) {
    %c0_i32 = arith.constant 0 : i32
    %c0_i32_0 = arith.constant 0 : i32
    %c0_i32_1 = arith.constant 0 : i32
    return %c0_i32, %c0_i32_0 : i32, i32
  }
  func.func @transform_21(%arg0: i32, %arg1: i32) -> (i32, i32) {
    %c0_i32 = arith.constant 0 : i32
    %c0_i32_0 = arith.constant 0 : i32
    %c0_i32_1 = arith.constant 0 : i32
    return %c0_i32, %c0_i32_0 : i32, i32
  }
  func.func @transform_22(%arg0: i32, %arg1: i32) -> (i32, i32) {
    %c0_i32 = arith.constant 0 : i32
    %c0_i32_0 = arith.constant 0 : i32
    %c0_i32_1 = arith.constant 0 : i32
    return %c0_i32, %c0_i32_0 : i32, i32
  }
  func.func @transform_23(%arg0: i32, %arg1: i32) -> (i32, i32) {
    %c0_i32 = arith.constant 0 : i32
    %c0_i32_0 = arith.constant 0 : i32
    %c0_i32_1 = arith.constant 0 : i32
    return %c0_i32, %c0_i32_0 : i32, i32
  }
  func.func @transform_24(%arg0: i32, %arg1: i32) -> (i32, i32) {
    %c0_i32 = arith.constant 0 : i32
    %c0_i32_0 = arith.constant 0 : i32
    %c0_i32_1 = arith.constant 0 : i32
    return %c0_i32, %c0_i32_0 : i32, i32
  }
  func.func @transform_25(%arg0: i32, %arg1: i32) -> (i32, i32) {
    %c0_i32 = arith.constant 0 : i32
    %c0_i32_0 = arith.constant 0 : i32
    %c0_i32_1 = arith.constant 0 : i32
    return %c0_i32, %c0_i32_0 : i32, i32
  }
  func.func @transform_26(%arg0: i32, %arg1: i32) -> (i32, i32) {
    %c0_i32 = arith.constant 0 : i32
    %c0_i32_0 = arith.constant 0 : i32
    %c0_i32_1 = arith.constant 0 : i32
    return %c0_i32, %c0_i32_0 : i32, i32
  }
  func.func @transform_27(%arg0: i32, %arg1: i32) -> (i32, i32) {
    %c0_i32 = arith.constant 0 : i32
    %c0_i32_0 = arith.constant 0 : i32
    %c0_i32_1 = arith.constant 0 : i32
    return %c0_i32, %c0_i32_0 : i32, i32
  }
  func.func @transform_28(%arg0: i32, %arg1: i32) -> (i32, i32) {
    %c0_i32 = arith.constant 0 : i32
    %c0_i32_0 = arith.constant 0 : i32
    %c0_i32_1 = arith.constant 0 : i32
    return %c0_i32, %c0_i32_0 : i32, i32
  }
  func.func @transform_29(%arg0: i32, %arg1: i32) -> (i32, i32) {
    %c0_i32 = arith.constant 0 : i32
    %c0_i32_0 = arith.constant 0 : i32
    %c0_i32_1 = arith.constant 0 : i32
    return %c0_i32, %c0_i32_0 : i32, i32
  }
  func.func @transform_30(%arg0: i32, %arg1: i32) -> (i32, i32) {
    %c0_i32 = arith.constant 0 : i32
    %c0_i32_0 = arith.constant 0 : i32
    %c0_i32_1 = arith.constant 0 : i32
    return %c0_i32, %c0_i32_0 : i32, i32
  }
  func.func @transform_31(%arg0: i32, %arg1: i32) -> (i32, i32) {
    %c0_i32 = arith.constant 0 : i32
    %c0_i32_0 = arith.constant 0 : i32
    %c0_i32_1 = arith.constant 0 : i32
    return %c0_i32, %c0_i32_0 : i32, i32
  }
  func.func @transform_32(%arg0: i32, %arg1: i32) -> (i32, i32) {
    %c0_i32 = arith.constant 0 : i32
    %c0_i32_0 = arith.constant 0 : i32
    %c0_i32_1 = arith.constant 0 : i32
    return %c0_i32, %c0_i32_0 : i32, i32
  }
  func.func @transform_33(%arg0: i32, %arg1: i32) -> (i32, i32) {
    %c0_i32 = arith.constant 0 : i32
    %c0_i32_0 = arith.constant 0 : i32
    %c0_i32_1 = arith.constant 0 : i32
    return %c0_i32, %c0_i32_0 : i32, i32
  }
  func.func @transform_34(%arg0: i32, %arg1: i32) -> (i32, i32) {
    %c0_i32 = arith.constant 0 : i32
    %c0_i32_0 = arith.constant 0 : i32
    %c0_i32_1 = arith.constant 0 : i32
    return %c0_i32, %c0_i32_0 : i32, i32
  }
  func.func @transform_35(%arg0: i32, %arg1: i32) -> (i32, i32) {
    %c0_i32 = arith.constant 0 : i32
    %c0_i32_0 = arith.constant 0 : i32
    %c0_i32_1 = arith.constant 0 : i32
    return %c0_i32, %c0_i32_0 : i32, i32
  }
  func.func @transform_36(%arg0: i32, %arg1: i32) -> (i32, i32) {
    %c0_i32 = arith.constant 0 : i32
    %c0_i32_0 = arith.constant 0 : i32
    %c0_i32_1 = arith.constant 0 : i32
    return %c0_i32, %c0_i32_0 : i32, i32
  }
}

</mosaic_0001>

<sc_bundles>
// kernel: kernel.4.cloned.1.call-start
scs
__scs_entry_jumppad:
0x0: {  	(pc) =	sbr.rel $0x88, $3  }
0x1: {  	(tag) =	ssettag $0x0;
	lr =	simm.s32 $0x1  }
0x2: {  	[smem:$0x3F81] =	sst lr;
	_ =	strace $0xD0000000  }
0x3: {  	_ = 	snop  }
0x4: {  	_ = 	snop  }
0x5: {  	_ = 	snop  }
0x6: {  	_ = 	snop  }
0x7: {  	_ = 	snop  }
__scs_overlays_trampoline_lowered:
0x8: {  	[smem:$0x3F90] =	sst s0  }
0x9: {  	[smem:$0x3F91] =	sst s1  }
0xa: {  	[smem:$0x3F92] =	sst s2  }
0xb: {  	[smem:$0x3F93] =	sst s3  }
0xc: {  	[smem:$0x3F94] =	sst s4  }
0xd: {  	[smem:$0x3F95] =	sst s5  }
0xe: {  	[smem:$0x3F96] =	sst s6  }
0xf: {  	[smem:$0x3F97] =	sst s7  }
0x10: {  	[smem:$0x3F98] =	sst s8  }
0x11: {  	[smem:$0x3F99] =	sst s9;
	s0 =	simm.s32 @!p0 $0x0  }
0x12: {  	s1 =	sld [smem:$0x3F7F];
	s0 =	simm.s32 @p0 $0x1  }
0x13: {  	[smem:$0x3F9A] =	sst s0;
	s0 =	simm.s32 @!p1 $0x0  }
0x14: {  	s2 =	sld [smem:$0x3F7E];
	s0 =	simm.s32 @p1 $0x1  }
0x15: {  	[smem:$0x3F9B] =	sst s0;
	s0 =	simm.s32 @!p2 $0x0  }
0x16: {  	s3 =	sld [smem:$0x3FDB];
	s0 =	simm.s32 @p2 $0x1  }
0x17: {  	s4 =	simm.s32 $0x1BF5;
	[smem:$0x3F9D] =	sst s0  }
0x18: {  	s0 =	sld [smem:$0x3F80];
	_ =	swait.ge [sflag:s4], $0x0  }
0x19: {  	s7 =	sld [smem:$0x3F81]  }
0x1a: {  	s8 =	sadd.s32 $0xFFFFE003, lr  }
0x1b: {  	s9 =	sadd.s32 $0xFFFFFEF7, lr;
	s5 =	simm.s32 $0xFFFFFFFF;
	p2 =	slt.u32 s8, $0xFFFFF086  }
0x1c: {  	p1 =	slt.u32 s9, $0xF7A;
	s5 =	simm.s32 @!p2 $0x0  }
0x1d: {  	s5 =	simm.s32 @p1 $0x1;
	p0 =	seq.s32 s7, s2  }
0x1e: {  	s7 =	smul.u32 @!p0 $0xF7A, s2;
	p2 =	seq.s32 @!p0 s5, $0x0  }
0x1f: {  	s9 =	smul.u32 $0xF7A, s1;
	s8 =	simm.s32 @!p0 $0x1BF5;
	p2 =	por !p2, p0  }
0x20: {  	[sflag:s8] =	ssyncset.s32 @!p0 $0xFFFFF086;
	s6 =	sadd.s32 @!p0 s3, s7;
	s7 =	simm.s32 @!p0 $0x108  }
0x21: {  	s3 =	sadd.s32 s3, s9;
	s6 =	sadd.s32 @!p0 $0x88, s6;
	s7 =	simm.s32 @p2 $0x1082  }
0x22: {  	[simem:s7], [sflag:s8] =	dma.local @!p0 [hbm:s6], $0xF7A  }
0x23: {  	s9 =	sor.u32 $0xD0000000, s2;
	s6 =	simm.s32 $0x108;
	_ =	swait.ge @!p0 [sflag:s8], $0x0  }
0x24: {  	s3 =	sadd.s32 $0x88, s3;
	s6 =	simm.s32 @!p1 $0x1082;
	[sflag:s4] =	ssyncset.s32 $0xFFFFF086  }
0x25: {  	[simem:s6], [sflag:s4] =	dma.local [hbm:s3], $0xF7A  }
0x26: {  	[smem:$0x3F81] =	sst s1;
	(tag) =	ssettag s2;
	_ =	strace s9  }
0x27: {  	s1 =	sld [smem:$0x3F91]  }
0x28: {  	s2 =	sld [smem:$0x3F92]  }
0x29: {  	s4 =	sld [smem:$0x3F94]  }
0x2a: {  	p0 =	seq.s32 s5, $0x0;
	s5 =	sld [smem:$0x3F95]  }
0x2b: {  	s6 =	sld [smem:$0x3F96]  }
0x2c: {  	s7 =	sld [smem:$0x3F97]  }
0x2d: {  	s3 =	simm.s32 $0x108;
	s8 =	sld [smem:$0x3F98]  }
0x2e: {  	s3 =	simm.s32 @!p0 $0x1082;
	s9 =	sld [smem:$0x3F99]  }
0x2f: {  	lr =	sadd.s32 s0, s3;
	s0 =	sld [smem:$0x3F90]  }
0x30: {  	s3 =	sld [smem:$0x3F93]  }
0x31: {  	[smem:$0x3F9C] =	sst s10  }
0x32: {  	s10 =	sld [smem:$0x3F9A];
	_ =	sdelay $0x3  }
0x33: {  	p0 =	seq.s32 s10, $0x1;
	s10 =	sld [smem:$0x3F9C];
	_ =	sdelay $0x3  }
0x34: {  	[smem:$0x3F9C] =	sst s10  }
0x35: {  	s10 =	sld [smem:$0x3F9B];
	_ =	sdelay $0x3  }
0x36: {  	p1 =	seq.s32 s10, $0x1;
	s10 =	sld [smem:$0x3F9C];
	_ =	sdelay $0x3  }
0x37: {  	[smem:$0x3F9C] =	sst s10  }
0x38: {  	s10 =	sld [smem:$0x3F9D]  }
0x39: {  	_ = 	snop;
	(pc) =	sbr.ind lr, $3  }
0x3a: {  	_ = 	snop  }
0x3b: {  	_ = 	snop  }
0x3c: {  	p2 =	seq.s32 s10, $0x1;
	s10 =	sld [smem:$0x3F9C]  }
0x3d: {  	_ =	shalt  }
0x3e: {  	_ =	shalt  }
0x3f: {  	_ =	shalt  }
0x40: {  	_ =	shalt  }
0x41: {  	_ =	shalt  }
0x42: {  	_ =	shalt  }
0x43: {  	_ =	shalt  }
0x44: {  	_ =	shalt  }
0x45: {  	_ =	shalt  }
0x46: {  	_ =	shalt  }
0x47: {  	_ =	shalt  }
0x48: {  	_ =	shalt  }
0x49: {  	_ =	shalt  }
0x4a: {  	_ =	shalt  }
0x4b: {  	_ =	shalt  }
0x4c: {  	_ =	shalt  }
0x4d: {  	_ =	shalt  }
0x4e: {  	_ =	shalt  }
0x4f: {  	_ =	shalt  }
0x50: {  	_ =	shalt  }
0x51: {  	_ =	shalt  }
0x52: {  	_ =	shalt  }
0x53: {  	_ =	shalt  }
0x54: {  	_ =	shalt  }
0x55: {  	_ =	shalt  }
0x56: {  	_ =	shalt  }
0x57: {  	_ =	shalt  }
0x58: {  	_ =	shalt  }
0x59: {  	_ =	shalt  }
0x5a: {  	_ =	shalt  }
0x5b: {  	_ =	shalt  }
0x5c: {  	_ =	shalt  }
0x5d: {  	_ =	shalt  }
0x5e: {  	_ =	shalt  }
0x5f: {  	_ =	shalt  }
0x60: {  	_ =	shalt  }
0x61: {  	_ =	shalt  }
0x62: {  	_ =	shalt  }
0x63: {  	_ =	shalt  }
0x64: {  	_ =	shalt  }
0x65: {  	_ =	shalt  }
0x66: {  	_ =	shalt  }
0x67: {  	_ =	shalt  }
0x68: {  	_ =	shalt  }
0x69: {  	_ =	shalt  }
0x6a: {  	_ =	shalt  }
0x6b: {  	_ =	shalt  }
0x6c: {  	_ =	shalt  }
0x6d: {  	_ =	shalt  }
0x6e: {  	_ =	shalt  }
0x6f: {  	_ =	shalt  }
0x70: {  	_ =	shalt  }
0x71: {  	_ =	shalt  }
0x72: {  	_ =	shalt  }
0x73: {  	_ =	shalt  }
0x74: {  	_ =	shalt  }
0x75: {  	_ =	shalt  }
0x76: {  	_ =	shalt  }
0x77: {  	_ =	shalt  }
0x78: {  	_ =	shalt  }
0x79: {  	_ =	shalt  }
0x7a: {  	_ =	shalt  }
0x7b: {  	_ =	shalt  }
0x7c: {  	_ =	shalt  }
0x7d: {  	_ =	shalt  }
0x7e: {  	_ =	shalt  }
0x7f: {  	_ =	shalt  }
0x80: {  	_ =	shalt  }
0x81: {  	_ =	shalt  }
0x82: {  	_ =	shalt  }
0x83: {  	_ =	shalt  }
0x84: {  	_ =	shalt  }
0x85: {  	_ =	shalt  }
0x86: {  	_ =	shalt  }
0x87: {  	_ =	shalt  }
.Lfunc_end0:
.L_simem_size_0:
called_computation_lowered:
.L_overlay_start_0:
0x88: {  	s2 =	sld [smem:$0x3FD9]  }
0x89: {  	s3 =	sld [smem:$0x3FFE];
	_ =	sdelay $0x1  }
0x8a: {  	s1 =	srdreg.scid  }
0x8b: {  	s0 =	sand.u32 $0x1, s1  }
0x8c: {  	s16 =	sshll.u32 s0, $0xA;
	s2 =	sadd.s32 s3, s2  }
0x8d: {  	s2 =	sadd.s32 s2, s16  }
0x8e: {  	[smem:$0x3FA8] =	sst s2  }
0x8f: {  	_ = 	snop  }
0x90: {  	(tm) =	ssettm $0x1  }
0x91: {  	s17 =	sld [smem:$0x3FFB];
	_ =	sdelay $0x3  }
0x92: {  	_ =	strace s17  }
0x93: {  	s2 =	sld [smem:$0x3FFC];
	_ =	sdelay $0x3  }
0x94: {  	_ =	strace s2  }
0x95: {  	s2 =	sld [smem:$0x3FFD];
	_ =	sdelay $0x3  }
0x96: {  	_ =	strace s2  }
0x97: {  	_ =	strace $0x8FFFFFFF  }
0x98: {  	s18 =	sld [smem:$0x3FDB];
	_ =	sdelay $0x1  }
0x99: {  	s19 =	simm.s32 $_scs_section_size  }
0x9a: {  	s4 =	simm.s32 $_size__tile_overlayer_lowered;
	s5 =	simm.s32 $_tile_overlayer_lowered  }
0x9b: {  	s22 =	simm.s32 $0x1BFF;
	s21 =	sshll.u32 s5, $0x1;
	s2 =	sadd.s32 s19, s18  }
0x9c: {  	s6 =	simm.s32 $0x0;
	s20 =	sshll.u32 s4, $0x1;
	s4 =	sadd.s32 s21, s2  }
0x9d: {  	[timem:s6], [sflag:s22] =	dma.local [hbm:s4], s20  }
0x9e: {  	_ =	swait.ge [sflag:s22], s20  }
0x9f: {  	s3 =	ssub.s32 $0x0, s20;
	[sflag:s22] =	ssyncset.done $0x0  }
0xa0: {  	[sflag:s22] =	ssyncadd.s32 s3;
	_ =	sdelay $0x1  }
0xa1: {  	s23 =	simm.s32 $0x1B8B  }
0xa2: {  	_ =	swait.ge [sflag:s23], $0x1  }
0xa3: {  	[sflag:s23] =	ssyncset.done $0x0  }
0xa4: {  	s25 =	simm.s32 $0x1B8E;
	s24 =	sld [smem:$0x3FFE];
	[sflag:s23] =	ssyncadd.s32 $0xFFFFFFFF  }
0xa5: {  	s26 =	simm.s32 $execute0_lowered;
	[smem:$0x3FD2] =	sst s25  }
0xa6: {  	s4 =	sshll.u32 s26, $0x1;
	_ =	strace $0x80000046;
	[dreg:$0x1] =	wrdreg $0xFFFFFFFF  }
0xa7: {  	s28 =	simm.s32 $_size_execute0_lowered;
	s2 =	sadd.s32 s2, s4;
	[dreg:$0x0] =	wrdreg $0x0  }
0xa8: {  	s4 =	sshll.u32 s28, $0x1;
	[dreg:$0x2] =	wrdreg s2  }
0xa9: {  	[dreg:$0x3] =	wrdreg s4  }
0xaa: {  	[dreg:$0x4] =	wrdreg $0xC0  }
0xab: {  	_ =	task [dreg:s6], $0x5FFFF  }
0xac: {  	[dreg:$0x1] =	wrdreg $0xFFFFFFFF  }
0xad: {  	[dreg:$0x0] =	wrdreg $0x60  }
0xae: {  	[dreg:$0x2] =	wrdreg s24  }
0xaf: {  	[dreg:$0x3] =	wrdreg $0x9  }
0xb0: {  	_ =	task.clear_ibuf [dreg:s6], $0x4FFFF;
	_ =	strace $0x90000046  }
0xb1: {  	s29 =	simm.s32 $0x9;
	_ =	strace $0x80000048  }
0xb2: {  	_ =	swait.ge [sflag:s29], $0x1  }
0xb3: {  	[sflag:s29] =	ssyncadd.s32 $0xFFFFFFFF  }
0xb4: {  	_ =	strace $0x90000048  }
0xb5: {  	_ =	sfence  }
0xb6: {  	s30 =	sld [smem:$0x0];
	_ =	sdelay $0x2  }
0xb7: {  	s31 =	sshll.u32 s1, $0xD;
	s1 =	sshrl.u32 s1, $0x2  }
0xb8: {  	s3 =	sand.u32 $0x4000, s31;
	s1 =	sadd.s32 s1, s30  }
0xb9: {  	s0 =	sor.u32 s3, s0;
	s1 =	sshll.u32 s1, $0x11  }
0xba: {  	s0 =	sor.u32 s1, s0  }
0xbb: {  	s0 =	sadd.s32 $0x8F2B, s0  }
0xbc: {  	[sflag:s0] =	ssyncadd.remote.s32 $0x1  }
0xbd: {  	_ =	sfence.sel $0xFFFF  }
0xbe: {  	[dreg:$0x0] =	wrdreg $0xFFFFFFFF;
	(pc) =	sbr.abs _section_cstart, $3  }
0xbf: {  	[dreg:$0x1] =	wrdreg $0xFFFFFFFF  }
0xc0: {  	_ =	task.clear_ibuf [dreg:s6], $0x2FFFF;
	_ =	strace $0x9FFFFFFF  }
0xc1: {  	(tm) =	ssettm $0x7FFFFFFF  }
tec
execute0_lowered:
.L_overlay_start_1:
0x0: {  	(tag) =	ssettag $0x1  }
0x1: {  	s1 =	srdreg.scid  }
0x2: {  	s0 =	stileid.u32;
	s4 =	rddreg [dreg:$0x0]  }
0x3: {  	s2 =	simm.s32 $0x0;
	s13 =	simm.s32 $0x12C00;
	s14 =	simm.s32 $0x1  }
0x4: {  	s15 =	simm.s32 $0x3;
	s16 =	simm.s32 $0x2;
	s17 =	simm.s32 $0x4  }
0x5: {  	s18 =	simm.s32 $0x0;
	s5 =	sand.u32 $0x1, s1;
	s1 =	rddreg [dreg:$0x1]  }
0x6: {  	s3 =	sshll.u32 s0, $0x1;
	[smem:$0x7FF] =	sst s2;
	s10 =	smul.u32 $0x19800, s0  }
0x7: {  	s6 =	sor.u32 s5, s3;
	s9 =	ssub.s32 $0x2, s5;
	s5 =	smul.u32 $0xCC00, s5  }
0x8: {  	s12 =	sadd.s32 $0x39C00, s4;
	_ =	strace $0x80000047;
	s7 =	smul.u32 $0xCC00, s6  }
0x9: {  	s3 =	sadd.s32 $0xF49000, s4;
	s8 =	smul.u32 $0xCC000, s6;
	s11 =	sshrl.u32 s9, $0x1  }
0xa: {  	s6 =	smul.u32 $0x19800, s6;
	s9 =	ssub.s32 s9, s11;
	s5 =	sadd.s32 s5, s10  }
0xb: {  	s10 =	simm.s32 $0x5;
	s11 =	simm.s32 $0x600;
	s7 =	sshrl.u32 s7, $0x3  }
0xc: {  	s8 =	sshrl.u32 s8, $0x3;
	s30 =	sshll.u32 s5, $0x1;
	s5 =	sadd.s32 s12, s6  }
0xd: {  	s7 =	sadd.s32 s7, s4;
	s29 =	sadd.s32 s12, s8;
	s31 =	sadd.s32 s12, s30  }
0xe: {  	s12 =	simm.s32 $0xCC00;
	s4 =	sadd.s32 $0x6C00, s7;
	s6 =	sadd.s32 $0x18C00, s29  }
0xf: {  	s7 =	smax.u32 s9, $0x1;
	s8 =	sadd.s32 $0xC00, s31;
	s9 =	sadd.s32 $0x1800, s31  }
.LBB2_1:
0x10: {  	[tilespmem:s2], [sflag:$0x5] =	stream.linear.gather [hbm4b:s4+s2], $0xCC00, $0x38;
	[tilespmem:$0x18C00] =	vst v63  }
0x11: {  	_ =	swait.ge [sflag:s10], $0xCC00  }
0x12: {  	[sflag:s10] =	ssyncset.done $0x0  }
0x13: {  	[sflag:s10] =	ssyncadd.s32 $0xFFFF3400  }
0x14: {  	[tilespmem:s12], [sflag:$0x1] =	stream.indirect.gather [hbm4b:s3+s11], $0x10, s2, s11, $0xb8;
	[tilespmem:$0x18C00] =	vst v63  }
0x15: {  	_ = 	snop  }
0x16: {  	[tilespmem:s13], [sflag:$0x2] =	stream.indirect.gather [hbm4b:s3+s11], $0x10, s11, s11, $0xb8;
	[tilespmem:$0x18C00] =	vst v63  }
0x17: {  	_ =	swait.ge [sflag:s14], $0x6000  }
0x18: {  	[sflag:s14] =	ssyncset.done $0x0  }
0x19: {  	[sflag:s14] =	ssyncadd.s32 $0xFFFFA000  }
0x1a: {  	[hbm4b:s5+s2] =	stream.linear.scatter [tilespmem:s12], [sflag:$0x3], $0x6000, $0x38;
	[tilespmem:$0x18C00] =	vst v63  }
0x1b: {  	_ =	swait.ge [sflag:s15], $0x6000  }
0x1c: {  	[sflag:s15] =	ssyncset.done $0x0  }
0x1d: {  	s19 =	simm.s32 $0xC00;
	[sflag:s15] =	ssyncadd.s32 $0xFFFFA000  }
0x1e: {  	[tilespmem:s12], [sflag:$0x1] =	stream.indirect.gather [hbm4b:s3+s11], $0x10, s19, s11, $0xb8;
	[tilespmem:$0x18C00] =	vst v63  }
0x1f: {  	_ =	swait.ge [sflag:s16], $0x6000  }
0x20: {  	[sflag:s16] =	ssyncset.done $0x0  }
0x21: {  	s30 =	sadd.s32 $0x0, s8;
	[sflag:s16] =	ssyncadd.s32 $0xFFFFA000  }
0x22: {  	[hbm4b:s30+s2] =	stream.linear.scatter [tilespmem:s13], [sflag:$0x4], $0x6000, $0x38;
	[tilespmem:$0x18C00] =	vst v63  }
0x23: {  	_ =	swait.ge [sflag:s17], $0x6000  }
0x24: {  	[sflag:s17] =	ssyncset.done $0x0  }
0x25: {  	s31 =	simm.s32 $0x1200;
	[sflag:s17] =	ssyncadd.s32 $0xFFFFA000  }
0x26: {  	[tilespmem:s13], [sflag:$0x2] =	stream.indirect.gather [hbm4b:s3+s11], $0x10, s31, s11, $0xb8;
	[tilespmem:$0x18C00] =	vst v63  }
0x27: {  	_ =	swait.ge [sflag:s14], $0x6000  }
0x28: {  	s21 =	sadd.s32 $0x0, s9;
	[sflag:s14] =	ssyncset.done $0x0  }
0x29: {  	s20 =	simm.s32 $0x1E00;
	s19 =	simm.s32 $0x1800;
	[sflag:s14] =	ssyncadd.s32 $0xFFFFA000  }
.LBB2_2:
0x2a: {  	[hbm4b:s21+s2] =	stream.linear.scatter [tilespmem:s12], [sflag:$0x3], $0x6000, $0x38;
	[tilespmem:$0x18C00] =	vst v63  }
0x2b: {  	s21 =	smov.u32 s19  }
0x2c: {  	p0 =	sne.s32 s19, $0x16800;
	s19 =	sadd.s32 $0x1800, s19;
	_ =	swait.ge [sflag:s15], $0x6000  }
0x2d: {  	[sflag:s15] =	ssyncset.done $0x0  }
0x2e: {  	s22 =	sadd.s32 $0xFFFFFA00, s20;
	[sflag:s15] =	ssyncadd.s32 $0xFFFFA000  }
0x2f: {  	[tilespmem:s12], [sflag:$0x1] =	stream.indirect.gather [hbm4b:s3+s11], $0x10, s22, s11, $0xb8;
	[tilespmem:$0x18C00] =	vst v63  }
0x30: {  	_ =	swait.ge [sflag:s16], $0x6000  }
0x31: {  	[sflag:s16] =	ssyncset.done $0x0  }
0x32: {  	s22 =	sadd.s32 s21, s8;
	[sflag:s16] =	ssyncadd.s32 $0xFFFFA000  }
0x33: {  	[hbm4b:s22+s2] =	stream.linear.scatter [tilespmem:s13], [sflag:$0x4], $0x6000, $0x38;
	[tilespmem:$0x18C00] =	vst v63  }
0x34: {  	_ =	swait.ge [sflag:s17], $0x6000  }
0x35: {  	[sflag:s17] =	ssyncset.done $0x0  }
.Ltmp0:
0x36: {  	[sflag:s17] =	ssyncadd.s32 $0xFFFFA000;
	(pc) =	sbr.rel @p0 .LBB2_2-.Ltmp0, $4  }
0x37: {  	[tilespmem:s13], [sflag:$0x2] =	stream.indirect.gather [hbm4b:s3+s11], $0x10, s20, s11, $0xb8;
	[tilespmem:$0x18C00] =	vst v63  }
0x38: {  	_ =	swait.ge [sflag:s14], $0x6000  }
0x39: {  	[sflag:s14] =	ssyncset.done $0x0  }
0x3a: {  	s21 =	sadd.s32 s21, s9;
	s20 =	sadd.s32 $0xC00, s20;
	[sflag:s14] =	ssyncadd.s32 $0xFFFFA000  }
0x3b: {  	[hbm4b:s21+s2] =	stream.linear.scatter [tilespmem:s12], [sflag:$0x3], $0x6000, $0x38;
	[tilespmem:$0x18C00] =	vst v63  }
0x3c: {  	_ =	swait.ge [sflag:s16], $0x6000  }
0x3d: {  	[sflag:s16] =	ssyncset.done $0x0  }
0x3e: {  	s18 =	sadd.s32 $0x1, s18;
	[sflag:s16] =	ssyncadd.s32 $0xFFFFA000  }
0x3f: {  	[hbm4b:s6+s2] =	stream.linear.scatter [tilespmem:s13], [sflag:$0x4], $0x6000, $0x38;
	[tilespmem:$0x18C00] =	vst v63  }
0x40: {  	p0 =	sne.s32 s18, s7;
	_ =	swait.ge [sflag:s15], $0x6000  }
.Ltmp1:
0x41: {  	[sflag:s15] =	ssyncset.done $0x0;
	(pc) =	sbr.rel @p0 .LBB2_1-.Ltmp1, $4  }
0x42: {  	[sflag:s15] =	ssyncadd.s32 $0xFFFFA000  }
0x43: {  	_ =	swait.ge [sflag:s17], $0x6000  }
0x44: {  	[sflag:s17] =	ssyncset.done $0x0  }
0x45: {  	[sflag:s17] =	ssyncadd.s32 $0xFFFFA000  }
0x46: {  	_ =	sfence.sel $0x180000  }
0x47: {  	[bflag:$0x0] =	sbarrier.arrive $0xFFFF  }
0x48: {  	p0 =	sne.s32 s0, $0x0;
	_ =	strace $0x90000047  }
0x49: {  	s0 =	sadd.s32 @!p0 $0x100000, s1;
	[bflag:$0x2] =	sbarrier.arrive $0xFFFF  }
0x4a: {  	[sflag:s0] =	ssyncadd.tile.s32 @!p0 $0x1;
	_ =	shalt  }
.Lfunc_end2:
_tile_overlayer_lowered:
.L_overlay_start_2:
0x4b: {  	(tag) =	ssettag $0x2  }
0x4c: {  	s0 =	rddreg [dreg:$0x0];
	s2 =	stileid.u32  }
0x4d: {  	s1 =	rddreg [dreg:$0x1];
	p0 =	sne.s32 s2, $0x0  }
0x4e: {  	s3 =	rddreg [dreg:$0x2];
	[bflag:$0x3] =	sbarrier.arrive $0xFFFF;
	s2 =	simm.s32 @!p0 $0x1C05  }
0x4f: {  	[timem:s3], [sflag:s2] =	dma.local @!p0 [hbm:s0], s1  }
0x50: {  	s0 =	simm.s32 @!p0 $0x5  }
0x51: {  	_ =	swait.ge @!p0 [sflag:s0], s1  }
0x52: {  	s1 =	ssub.s32 @!p0 $0x0, s1;
	[sflag:s0] =	ssyncset.done @!p0 $0x0  }
0x53: {  	[sflag:s0] =	ssyncadd.s32 @!p0 s1  }
0x54: {  	[bflag:$0x3] =	sbarrier.arrive $0xFFFF  }
0x55: {  	_ =	shalt  }

</sc_bundles>
